<compile_context>
chip_gen: v7x
topology: tpu7x:2x2x1
jax: 0.10.2.dev20260603
libtpu: 0.0.44.dev20260713+nightly
codegen_flags: <defaults>
</compile_context>

<pallas_src>
import functools

import jax
import jax.numpy as jnp
from jax import lax
from jax.experimental import pallas as pl
from jax.experimental.pallas import tpu as pltpu
from jax.experimental.pallas import tpu_sc as plsc

NUM_WORKERS = 32
CHUNK = 128
NB = 5
PF = 4


def _embed_body(n_chunks, chunk, d, n_groups, b0, idx_hbm, table_hbm,
                out_hbm, idx_v, rows_v, *sems):
    gsem = sems[:NB]
    ssem = sems[NB:]
    wid = lax.axis_index("s") * 2 + lax.axis_index("c")
    col = wid * chunk

    def gather(j, b):
        pltpu.async_copy(table_hbm.at[idx_v.at[j]], rows_v.at[b], gsem[b])

    def wait_gather(b):
        pltpu.make_async_copy(table_hbm.at[pl.ds(0, chunk)], rows_v.at[b],
                              gsem[b]).wait()

    def scatter(j, b):
        pltpu.async_copy(rows_v.at[b],
                         out_hbm.at[pl.ds(j * b0 + col, chunk)], ssem[b])

    def wait_scatter(b):
        pltpu.make_async_copy(rows_v.at[b], out_hbm.at[pl.ds(col, chunk)],
                              ssem[b]).wait()

    pltpu.sync_copy(idx_hbm.at[:, pl.ds(col, chunk)], idx_v)

    for b in range(PF):
        gather(b, b)

    for b in range(NB):
        wait_gather(b)
        scatter(b, b)
        if b + PF < n_chunks:
            if b + PF - NB >= 0:
                wait_scatter((b + PF) % NB)
            gather(b + PF, (b + PF) % NB)

    def outer(g, carry):
        for b in range(NB):
            j = g * NB + b
            wait_gather(b)
            scatter(j, b)
            wait_scatter((b + PF) % NB)
            gather(j + PF, (b + PF) % NB)
        return carry

    lax.fori_loop(1, n_groups - 1, outer, 0)

    for b in range(NB):
        j = (n_groups - 1) * NB + b
        wait_gather(b)
        scatter(j, b)
        if j + PF < n_chunks:
            wait_scatter((b + PF) % NB)
            gather(j + PF, (b + PF) % NB)

    for b in range(NB):
        wait_scatter(b)


def kernel(ids, table):
    b0, seq = ids.shape
    d = table.shape[1]
    n_chunks = seq
    n_groups = n_chunks // NB
    idx = ids.T.astype(jnp.int32)

    mesh = plsc.VectorSubcoreMesh(core_axis_name="c", subcore_axis_name="s")
    embed = functools.partial(_embed_body, n_chunks, CHUNK, d, n_groups, b0)
    out = pl.kernel(
        embed,
        mesh=mesh,
        out_type=jax.ShapeDtypeStruct((b0 * seq, d), jnp.float32),
        scratch_types=[
            pltpu.VMEM((n_chunks, CHUNK), jnp.int32),
            pltpu.VMEM((NB, CHUNK, d), jnp.float32),
        ] + [pltpu.SemaphoreType.DMA] * (2 * NB),
    )(idx, table)
    return out.reshape(seq, b0, d).transpose(1, 0, 2)

# --- scband reference (transcript-rebuilt; emitter-appended) ---
"""Pipeline reference for scband-word-embed-10196252361235 (READ-ONLY COPY).

The authoritative reference and input builder live on the scoring server;
editing this copy changes nothing except your own understanding.
"""

import jax, jax.numpy as jnp
import numpy as np

VOCAB_SIZE = 100000
EMBED_DIM = 128

def setup_inputs(seed: int = 0) -> dict:
    key = jax.random.key(seed)
    k_ids, k_table = jax.random.split(key)
    ids = jax.random.randint(k_ids, (4096, 50), 0, 100000, dtype=jnp.int64 if jax.config.jax_enable_x64 else jnp.int32)
    # nn.Embedding(vocab_size + 1, embed_dim) -> table has VOCAB_SIZE + 1 rows
    table = jax.random.normal(k_table, (VOCAB_SIZE + 1, EMBED_DIM), dtype=jnp.float32)
    return {"ids": ids, "table": table}

def reference(ids, table):
    # Faithful translation of nn.Embedding forward: row gather from the table
    return jnp.take(table, ids, axis=0)

if __name__ == "__main__":
    import jax
    _d = setup_inputs()
    print(jax.jit(kernel)(*tuple(_d.values())))

</pallas_src>

<mosaic_0001>
#map = affine_map<(d0, d1) -> (0, 0)>
module attributes {stable_mosaic.version = 14 : i64} {
  func.func @_embed_body(%arg0: i32, %arg1: i32, %arg2: memref<50x4096xi32, #tpu.memory_space<hbm>>, %arg3: memref<100001x128xf32, #tpu.memory_space<hbm>>, %arg4: memref<204800x128xf32, #tpu.memory_space<hbm>>, %arg5: memref<50x128xi32, #tpu.memory_space<vmem>>, %arg6: memref<5x128x128xf32, #tpu.memory_space<vmem>>, %arg7: memref<!tpu.dma_semaphore, #tpu.memory_space<semaphore_mem>>, %arg8: memref<!tpu.dma_semaphore, #tpu.memory_space<semaphore_mem>>, %arg9: memref<!tpu.dma_semaphore, #tpu.memory_space<semaphore_mem>>, %arg10: memref<!tpu.dma_semaphore, #tpu.memory_space<semaphore_mem>>, %arg11: memref<!tpu.dma_semaphore, #tpu.memory_space<semaphore_mem>>, %arg12: memref<!tpu.dma_semaphore, #tpu.memory_space<semaphore_mem>>, %arg13: memref<!tpu.dma_semaphore, #tpu.memory_space<semaphore_mem>>, %arg14: memref<!tpu.dma_semaphore, #tpu.memory_space<semaphore_mem>>, %arg15: memref<!tpu.dma_semaphore, #tpu.memory_space<semaphore_mem>>, %arg16: memref<!tpu.dma_semaphore, #tpu.memory_space<semaphore_mem>>) attributes {dimension_semantics = [#tpu.dimension_semantics<core_parallel>, #tpu.dimension_semantics<subcore_parallel>], iteration_bounds = array<i64: 2, 16>, scalar_prefetch = 0 : i64, scratch_operands = 12 : i64, tpu.core_type = #tpu.core_type<sc_vector_subcore>, window_params = [{transform_indices = #map}, {transform_indices = #map}, {transform_indices = #map}]} {
    %mul3A = arith.constant 2 : i32
    %mul3A_0 = arith.muli %arg1, %mul3A : i32
    %add3A = arith.addi %mul3A_0, %arg0 : i32
    %mul3A_1 = arith.constant 128 : i32
    %mul3A_2 = arith.muli %add3A, %mul3A_1 : i32
    "tpu.region"() ({
      %run_scoped3A = tpu.sem_alloc : memref<!tpu.dma_semaphore, #tpu.memory_space<semaphore_mem>>
      %dma_start3A_556 = arith.constant 0 : i32
      %dma_start3A_557 = tpu.memref_slice %arg2[%dma_start3A_556, %mul3A_2] : memref<50x4096xi32, #tpu.memory_space<hbm>> -> memref<50x128xi32, #tpu.memory_space<hbm>>
      %dma_start3A_558 = arith.constant 0 : i32
      %dma_start3A_559 = tpu.memref_slice %arg2[%dma_start3A_558, %mul3A_2] : memref<50x4096xi32, #tpu.memory_space<hbm>> -> memref<50x128xi32, #tpu.memory_space<hbm>>
      tpu.enqueue_dma source(%dma_start3A_559 : memref<50x128xi32, #tpu.memory_space<hbm>>) target(%arg5 : memref<50x128xi32, #tpu.memory_space<vmem>>) target_semaphore(%run_scoped3A : memref<!tpu.dma_semaphore, #tpu.memory_space<semaphore_mem>>)
      %dma_wait3A_560 = arith.constant 0 : i32
      %dma_wait3A_561 = tpu.memref_slice %arg2[%dma_wait3A_560, %mul3A_2] : memref<50x4096xi32, #tpu.memory_space<hbm>> -> memref<50x128xi32, #tpu.memory_space<hbm>>
      %dma_wait3A_562 = arith.constant 0 : i32
      %dma_wait3A_563 = tpu.memref_slice %arg2[%dma_wait3A_562, %mul3A_2] : memref<50x4096xi32, #tpu.memory_space<hbm>> -> memref<50x128xi32, #tpu.memory_space<hbm>>
      tpu.wait_dma2 semaphore(%run_scoped3A : memref<!tpu.dma_semaphore, #tpu.memory_space<semaphore_mem>>) src(%dma_wait3A_563 : memref<50x128xi32, #tpu.memory_space<hbm>>) dst(%arg5 : memref<50x128xi32, #tpu.memory_space<vmem>>)
      tpu.yield
    }) : () -> ()
    %dma_start3A = arith.constant 0 : i32
    %dma_start3A_3 = arith.constant 0 : i32
    %dma_start3A_4 = arith.constant 0 : i32
    %dma_start3A_5 = arith.constant 0 : i32
    %dma_start3A_6 = tpu.memref_slice %arg6[%dma_start3A_3, %dma_start3A_4, %dma_start3A_5] : memref<5x128x128xf32, #tpu.memory_space<vmem>> -> memref<1x128x128xf32, #tpu.memory_space<vmem>>
    %dma_start3A_7 = tpu.memref_squeeze %dma_start3A_6 : memref<1x128x128xf32, #tpu.memory_space<vmem>> -> memref<128x128xf32, #tpu.memory_space<vmem>>
    %dma_start3A_8 = arith.constant 0 : i32
    %dma_start3A_9 = tpu.memref_slice %arg5[%dma_start3A, %dma_start3A_8] : memref<50x128xi32, #tpu.memory_space<vmem>> -> memref<1x128xi32, #tpu.memory_space<vmem>>
    %dma_start3A_10 = tpu.memref_squeeze %dma_start3A_9 : memref<1x128xi32, #tpu.memory_space<vmem>> -> memref<128xi32, #tpu.memory_space<vmem>>
    %dma_start3A_11 = arith.constant 0 : i32
    %dma_start3A_12 = arith.constant 0 : i32
    %dma_start3A_13 = tpu.memref_slice %arg3[%dma_start3A_11, %dma_start3A_12] : memref<100001x128xf32, #tpu.memory_space<hbm>> -> memref<100001x128xf32, #tpu.memory_space<hbm>>
    tpu.enqueue_indirect_dma source(%dma_start3A_13 : memref<100001x128xf32, #tpu.memory_space<hbm>>) target(%dma_start3A_7 : memref<128x128xf32, #tpu.memory_space<vmem>>) offsets(%dma_start3A_10 : memref<128xi32, #tpu.memory_space<vmem>>) semaphore(%arg7 : memref<!tpu.dma_semaphore, #tpu.memory_space<semaphore_mem>>)
    %dma_start3A_14 = arith.constant 1 : i32
    %dma_start3A_15 = arith.constant 1 : i32
    %dma_start3A_16 = arith.constant 0 : i32
    %dma_start3A_17 = arith.constant 0 : i32
    %dma_start3A_18 = tpu.memref_slice %arg6[%dma_start3A_15, %dma_start3A_16, %dma_start3A_17] : memref<5x128x128xf32, #tpu.memory_space<vmem>> -> memref<1x128x128xf32, #tpu.memory_space<vmem>>
    %dma_start3A_19 = tpu.memref_squeeze %dma_start3A_18 : memref<1x128x128xf32, #tpu.memory_space<vmem>> -> memref<128x128xf32, #tpu.memory_space<vmem>>
    %dma_start3A_20 = arith.constant 0 : i32
    %dma_start3A_21 = tpu.memref_slice %arg5[%dma_start3A_14, %dma_start3A_20] : memref<50x128xi32, #tpu.memory_space<vmem>> -> memref<1x128xi32, #tpu.memory_space<vmem>>
    %dma_start3A_22 = tpu.memref_squeeze %dma_start3A_21 : memref<1x128xi32, #tpu.memory_space<vmem>> -> memref<128xi32, #tpu.memory_space<vmem>>
    %dma_start3A_23 = arith.constant 0 : i32
    %dma_start3A_24 = arith.constant 0 : i32
    %dma_start3A_25 = tpu.memref_slice %arg3[%dma_start3A_23, %dma_start3A_24] : memref<100001x128xf32, #tpu.memory_space<hbm>> -> memref<100001x128xf32, #tpu.memory_space<hbm>>
    tpu.enqueue_indirect_dma source(%dma_start3A_25 : memref<100001x128xf32, #tpu.memory_space<hbm>>) target(%dma_start3A_19 : memref<128x128xf32, #tpu.memory_space<vmem>>) offsets(%dma_start3A_22 : memref<128xi32, #tpu.memory_space<vmem>>) semaphore(%arg8 : memref<!tpu.dma_semaphore, #tpu.memory_space<semaphore_mem>>)
    %dma_start3A_26 = arith.constant 2 : i32
    %dma_start3A_27 = arith.constant 2 : i32
    %dma_start3A_28 = arith.constant 0 : i32
    %dma_start3A_29 = arith.constant 0 : i32
    %dma_start3A_30 = tpu.memref_slice %arg6[%dma_start3A_27, %dma_start3A_28, %dma_start3A_29] : memref<5x128x128xf32, #tpu.memory_space<vmem>> -> memref<1x128x128xf32, #tpu.memory_space<vmem>>
    %dma_start3A_31 = tpu.memref_squeeze %dma_start3A_30 : memref<1x128x128xf32, #tpu.memory_space<vmem>> -> memref<128x128xf32, #tpu.memory_space<vmem>>
    %dma_start3A_32 = arith.constant 0 : i32
    %dma_start3A_33 = tpu.memref_slice %arg5[%dma_start3A_26, %dma_start3A_32] : memref<50x128xi32, #tpu.memory_space<vmem>> -> memref<1x128xi32, #tpu.memory_space<vmem>>
    %dma_start3A_34 = tpu.memref_squeeze %dma_start3A_33 : memref<1x128xi32, #tpu.memory_space<vmem>> -> memref<128xi32, #tpu.memory_space<vmem>>
    %dma_start3A_35 = arith.constant 0 : i32
    %dma_start3A_36 = arith.constant 0 : i32
    %dma_start3A_37 = tpu.memref_slice %arg3[%dma_start3A_35, %dma_start3A_36] : memref<100001x128xf32, #tpu.memory_space<hbm>> -> memref<100001x128xf32, #tpu.memory_space<hbm>>
    tpu.enqueue_indirect_dma source(%dma_start3A_37 : memref<100001x128xf32, #tpu.memory_space<hbm>>) target(%dma_start3A_31 : memref<128x128xf32, #tpu.memory_space<vmem>>) offsets(%dma_start3A_34 : memref<128xi32, #tpu.memory_space<vmem>>) semaphore(%arg9 : memref<!tpu.dma_semaphore, #tpu.memory_space<semaphore_mem>>)
    %dma_start3A_38 = arith.constant 3 : i32
    %dma_start3A_39 = arith.constant 3 : i32
    %dma_start3A_40 = arith.constant 0 : i32
    %dma_start3A_41 = arith.constant 0 : i32
    %dma_start3A_42 = tpu.memref_slice %arg6[%dma_start3A_39, %dma_start3A_40, %dma_start3A_41] : memref<5x128x128xf32, #tpu.memory_space<vmem>> -> memref<1x128x128xf32, #tpu.memory_space<vmem>>
    %dma_start3A_43 = tpu.memref_squeeze %dma_start3A_42 : memref<1x128x128xf32, #tpu.memory_space<vmem>> -> memref<128x128xf32, #tpu.memory_space<vmem>>
    %dma_start3A_44 = arith.constant 0 : i32
    %dma_start3A_45 = tpu.memref_slice %arg5[%dma_start3A_38, %dma_start3A_44] : memref<50x128xi32, #tpu.memory_space<vmem>> -> memref<1x128xi32, #tpu.memory_space<vmem>>
    %dma_start3A_46 = tpu.memref_squeeze %dma_start3A_45 : memref<1x128xi32, #tpu.memory_space<vmem>> -> memref<128xi32, #tpu.memory_space<vmem>>
    %dma_start3A_47 = arith.constant 0 : i32
    %dma_start3A_48 = arith.constant 0 : i32
    %dma_start3A_49 = tpu.memref_slice %arg3[%dma_start3A_47, %dma_start3A_48] : memref<100001x128xf32, #tpu.memory_space<hbm>> -> memref<100001x128xf32, #tpu.memory_space<hbm>>
    tpu.enqueue_indirect_dma source(%dma_start3A_49 : memref<100001x128xf32, #tpu.memory_space<hbm>>) target(%dma_start3A_43 : memref<128x128xf32, #tpu.memory_space<vmem>>) offsets(%dma_start3A_46 : memref<128xi32, #tpu.memory_space<vmem>>) semaphore(%arg10 : memref<!tpu.dma_semaphore, #tpu.memory_space<semaphore_mem>>)
    %dma_wait3A = arith.constant 0 : i32
    %dma_wait3A_50 = arith.constant 0 : i32
    %dma_wait3A_51 = arith.constant 0 : i32
    %dma_wait3A_52 = tpu.memref_slice %arg6[%dma_wait3A, %dma_wait3A_50, %dma_wait3A_51] : memref<5x128x128xf32, #tpu.memory_space<vmem>> -> memref<1x128x128xf32, #tpu.memory_space<vmem>>
    %dma_wait3A_53 = tpu.memref_squeeze %dma_wait3A_52 : memref<1x128x128xf32, #tpu.memory_space<vmem>> -> memref<128x128xf32, #tpu.memory_space<vmem>>
    %dma_wait3A_54 = arith.constant 0 : i32
    %dma_wait3A_55 = arith.constant 0 : i32
    %dma_wait3A_56 = tpu.memref_slice %arg3[%dma_wait3A_54, %dma_wait3A_55] : memref<100001x128xf32, #tpu.memory_space<hbm>> -> memref<128x128xf32, #tpu.memory_space<hbm>>
    %dma_wait3A_57 = arith.constant 0 : i32
    %dma_wait3A_58 = arith.constant 0 : i32
    %dma_wait3A_59 = tpu.memref_slice %arg6[%dma_wait3A, %dma_wait3A_57, %dma_wait3A_58] : memref<5x128x128xf32, #tpu.memory_space<vmem>> -> memref<1x128x128xf32, #tpu.memory_space<vmem>>
    %dma_wait3A_60 = tpu.memref_squeeze %dma_wait3A_59 : memref<1x128x128xf32, #tpu.memory_space<vmem>> -> memref<128x128xf32, #tpu.memory_space<vmem>>
    %dma_wait3A_61 = arith.constant 0 : i32
    %dma_wait3A_62 = arith.constant 0 : i32
    %dma_wait3A_63 = tpu.memref_slice %arg3[%dma_wait3A_61, %dma_wait3A_62] : memref<100001x128xf32, #tpu.memory_space<hbm>> -> memref<128x128xf32, #tpu.memory_space<hbm>>
    tpu.wait_dma2 semaphore(%arg7 : memref<!tpu.dma_semaphore, #tpu.memory_space<semaphore_mem>>) src(%dma_wait3A_63 : memref<128x128xf32, #tpu.memory_space<hbm>>) dst(%dma_wait3A_60 : memref<128x128xf32, #tpu.memory_space<vmem>>)
    %add3A_64 = arith.constant 0 : i32
    %add3A_65 = arith.addi %add3A_64, %mul3A_2 : i32
    %dma_start3A_66 = arith.constant 0 : i32
    %dma_start3A_67 = arith.constant 0 : i32
    %dma_start3A_68 = arith.constant 0 : i32
    %dma_start3A_69 = tpu.memref_slice %arg6[%dma_start3A_66, %dma_start3A_67, %dma_start3A_68] : memref<5x128x128xf32, #tpu.memory_space<vmem>> -> memref<1x128x128xf32, #tpu.memory_space<vmem>>
    %dma_start3A_70 = tpu.memref_squeeze %dma_start3A_69 : memref<1x128x128xf32, #tpu.memory_space<vmem>> -> memref<128x128xf32, #tpu.memory_space<vmem>>
    %dma_start3A_71 = arith.constant 0 : i32
    %dma_start3A_72 = tpu.memref_slice %arg4[%add3A_65, %dma_start3A_71] : memref<204800x128xf32, #tpu.memory_space<hbm>> -> memref<128x128xf32, #tpu.memory_space<hbm>>
    %dma_start3A_73 = arith.constant 0 : i32
    %dma_start3A_74 = tpu.memref_slice %arg4[%add3A_65, %dma_start3A_73] : memref<204800x128xf32, #tpu.memory_space<hbm>> -> memref<128x128xf32, #tpu.memory_space<hbm>>
    %dma_start3A_75 = arith.constant 0 : i32
    %dma_start3A_76 = arith.constant 0 : i32
    %dma_start3A_77 = tpu.memref_slice %arg6[%dma_start3A_66, %dma_start3A_75, %dma_start3A_76] : memref<5x128x128xf32, #tpu.memory_space<vmem>> -> memref<1x128x128xf32, #tpu.memory_space<vmem>>
    %dma_start3A_78 = tpu.memref_squeeze %dma_start3A_77 : memref<1x128x128xf32, #tpu.memory_space<vmem>> -> memref<128x128xf32, #tpu.memory_space<vmem>>
    tpu.enqueue_dma source(%dma_start3A_78 : memref<128x128xf32, #tpu.memory_space<vmem>>) target(%dma_start3A_74 : memref<128x128xf32, #tpu.memory_space<hbm>>) target_semaphore(%arg12 : memref<!tpu.dma_semaphore, #tpu.memory_space<semaphore_mem>>)
    %dma_start3A_79 = arith.constant 4 : i32
    %dma_start3A_80 = arith.constant 4 : i32
    %dma_start3A_81 = arith.constant 0 : i32
    %dma_start3A_82 = arith.constant 0 : i32
    %dma_start3A_83 = tpu.memref_slice %arg6[%dma_start3A_80, %dma_start3A_81, %dma_start3A_82] : memref<5x128x128xf32, #tpu.memory_space<vmem>> -> memref<1x128x128xf32, #tpu.memory_space<vmem>>
    %dma_start3A_84 = tpu.memref_squeeze %dma_start3A_83 : memref<1x128x128xf32, #tpu.memory_space<vmem>> -> memref<128x128xf32, #tpu.memory_space<vmem>>
    %dma_start3A_85 = arith.constant 0 : i32
    %dma_start3A_86 = tpu.memref_slice %arg5[%dma_start3A_79, %dma_start3A_85] : memref<50x128xi32, #tpu.memory_space<vmem>> -> memref<1x128xi32, #tpu.memory_space<vmem>>
    %dma_start3A_87 = tpu.memref_squeeze %dma_start3A_86 : memref<1x128xi32, #tpu.memory_space<vmem>> -> memref<128xi32, #tpu.memory_space<vmem>>
    %dma_start3A_88 = arith.constant 0 : i32
    %dma_start3A_89 = arith.constant 0 : i32
    %dma_start3A_90 = tpu.memref_slice %arg3[%dma_start3A_88, %dma_start3A_89] : memref<100001x128xf32, #tpu.memory_space<hbm>> -> memref<100001x128xf32, #tpu.memory_space<hbm>>
    tpu.enqueue_indirect_dma source(%dma_start3A_90 : memref<100001x128xf32, #tpu.memory_space<hbm>>) target(%dma_start3A_84 : memref<128x128xf32, #tpu.memory_space<vmem>>) offsets(%dma_start3A_87 : memref<128xi32, #tpu.memory_space<vmem>>) semaphore(%arg11 : memref<!tpu.dma_semaphore, #tpu.memory_space<semaphore_mem>>)
    %dma_wait3A_91 = arith.constant 1 : i32
    %dma_wait3A_92 = arith.constant 0 : i32
    %dma_wait3A_93 = arith.constant 0 : i32
    %dma_wait3A_94 = tpu.memref_slice %arg6[%dma_wait3A_91, %dma_wait3A_92, %dma_wait3A_93] : memref<5x128x128xf32, #tpu.memory_space<vmem>> -> memref<1x128x128xf32, #tpu.memory_space<vmem>>
    %dma_wait3A_95 = tpu.memref_squeeze %dma_wait3A_94 : memref<1x128x128xf32, #tpu.memory_space<vmem>> -> memref<128x128xf32, #tpu.memory_space<vmem>>
    %dma_wait3A_96 = arith.constant 0 : i32
    %dma_wait3A_97 = arith.constant 0 : i32
    %dma_wait3A_98 = tpu.memref_slice %arg3[%dma_wait3A_96, %dma_wait3A_97] : memref<100001x128xf32, #tpu.memory_space<hbm>> -> memref<128x128xf32, #tpu.memory_space<hbm>>
    %dma_wait3A_99 = arith.constant 0 : i32
    %dma_wait3A_100 = arith.constant 0 : i32
    %dma_wait3A_101 = tpu.memref_slice %arg6[%dma_wait3A_91, %dma_wait3A_99, %dma_wait3A_100] : memref<5x128x128xf32, #tpu.memory_space<vmem>> -> memref<1x128x128xf32, #tpu.memory_space<vmem>>
    %dma_wait3A_102 = tpu.memref_squeeze %dma_wait3A_101 : memref<1x128x128xf32, #tpu.memory_space<vmem>> -> memref<128x128xf32, #tpu.memory_space<vmem>>
    %dma_wait3A_103 = arith.constant 0 : i32
    %dma_wait3A_104 = arith.constant 0 : i32
    %dma_wait3A_105 = tpu.memref_slice %arg3[%dma_wait3A_103, %dma_wait3A_104] : memref<100001x128xf32, #tpu.memory_space<hbm>> -> memref<128x128xf32, #tpu.memory_space<hbm>>
    tpu.wait_dma2 semaphore(%arg8 : memref<!tpu.dma_semaphore, #tpu.memory_space<semaphore_mem>>) src(%dma_wait3A_105 : memref<128x128xf32, #tpu.memory_space<hbm>>) dst(%dma_wait3A_102 : memref<128x128xf32, #tpu.memory_space<vmem>>)
    %add3A_106 = arith.constant 4096 : i32
    %add3A_107 = arith.addi %add3A_106, %mul3A_2 : i32
    %dma_start3A_108 = arith.constant 1 : i32
    %dma_start3A_109 = arith.constant 0 : i32
    %dma_start3A_110 = arith.constant 0 : i32
    %dma_start3A_111 = tpu.memref_slice %arg6[%dma_start3A_108, %dma_start3A_109, %dma_start3A_110] : memref<5x128x128xf32, #tpu.memory_space<vmem>> -> memref<1x128x128xf32, #tpu.memory_space<vmem>>
    %dma_start3A_112 = tpu.memref_squeeze %dma_start3A_111 : memref<1x128x128xf32, #tpu.memory_space<vmem>> -> memref<128x128xf32, #tpu.memory_space<vmem>>
    %dma_start3A_113 = arith.constant 0 : i32
    %dma_start3A_114 = tpu.memref_slice %arg4[%add3A_107, %dma_start3A_113] : memref<204800x128xf32, #tpu.memory_space<hbm>> -> memref<128x128xf32, #tpu.memory_space<hbm>>
    %dma_start3A_115 = arith.constant 0 : i32
    %dma_start3A_116 = tpu.memref_slice %arg4[%add3A_107, %dma_start3A_115] : memref<204800x128xf32, #tpu.memory_space<hbm>> -> memref<128x128xf32, #tpu.memory_space<hbm>>
    %dma_start3A_117 = arith.constant 0 : i32
    %dma_start3A_118 = arith.constant 0 : i32
    %dma_start3A_119 = tpu.memref_slice %arg6[%dma_start3A_108, %dma_start3A_117, %dma_start3A_118] : memref<5x128x128xf32, #tpu.memory_space<vmem>> -> memref<1x128x128xf32, #tpu.memory_space<vmem>>
    %dma_start3A_120 = tpu.memref_squeeze %dma_start3A_119 : memref<1x128x128xf32, #tpu.memory_space<vmem>> -> memref<128x128xf32, #tpu.memory_space<vmem>>
    tpu.enqueue_dma source(%dma_start3A_120 : memref<128x128xf32, #tpu.memory_space<vmem>>) target(%dma_start3A_116 : memref<128x128xf32, #tpu.memory_space<hbm>>) target_semaphore(%arg13 : memref<!tpu.dma_semaphore, #tpu.memory_space<semaphore_mem>>)
    %dma_wait3A_121 = arith.constant 0 : i32
    %dma_wait3A_122 = arith.constant 0 : i32
    %dma_wait3A_123 = arith.constant 0 : i32
    %dma_wait3A_124 = tpu.memref_slice %arg6[%dma_wait3A_121, %dma_wait3A_122, %dma_wait3A_123] : memref<5x128x128xf32, #tpu.memory_space<vmem>> -> memref<1x128x128xf32, #tpu.memory_space<vmem>>
    %dma_wait3A_125 = tpu.memref_squeeze %dma_wait3A_124 : memref<1x128x128xf32, #tpu.memory_space<vmem>> -> memref<128x128xf32, #tpu.memory_space<vmem>>
    %dma_wait3A_126 = arith.constant 0 : i32
    %dma_wait3A_127 = tpu.memref_slice %arg4[%mul3A_2, %dma_wait3A_126] : memref<204800x128xf32, #tpu.memory_space<hbm>> -> memref<128x128xf32, #tpu.memory_space<hbm>>
    %dma_wait3A_128 = arith.constant 0 : i32
    %dma_wait3A_129 = tpu.memref_slice %arg4[%mul3A_2, %dma_wait3A_128] : memref<204800x128xf32, #tpu.memory_space<hbm>> -> memref<128x128xf32, #tpu.memory_space<hbm>>
    %dma_wait3A_130 = arith.constant 0 : i32
    %dma_wait3A_131 = arith.constant 0 : i32
    %dma_wait3A_132 = tpu.memref_slice %arg6[%dma_wait3A_121, %dma_wait3A_130, %dma_wait3A_131] : memref<5x128x128xf32, #tpu.memory_space<vmem>> -> memref<1x128x128xf32, #tpu.memory_space<vmem>>
    %dma_wait3A_133 = tpu.memref_squeeze %dma_wait3A_132 : memref<1x128x128xf32, #tpu.memory_space<vmem>> -> memref<128x128xf32, #tpu.memory_space<vmem>>
    tpu.wait_dma2 semaphore(%arg12 : memref<!tpu.dma_semaphore, #tpu.memory_space<semaphore_mem>>) src(%dma_wait3A_133 : memref<128x128xf32, #tpu.memory_space<vmem>>) dst(%dma_wait3A_129 : memref<128x128xf32, #tpu.memory_space<hbm>>)
    %dma_start3A_134 = arith.constant 5 : i32
    %dma_start3A_135 = arith.constant 0 : i32
    %dma_start3A_136 = arith.constant 0 : i32
    %dma_start3A_137 = arith.constant 0 : i32
    %dma_start3A_138 = tpu.memref_slice %arg6[%dma_start3A_135, %dma_start3A_136, %dma_start3A_137] : memref<5x128x128xf32, #tpu.memory_space<vmem>> -> memref<1x128x128xf32, #tpu.memory_space<vmem>>
    %dma_start3A_139 = tpu.memref_squeeze %dma_start3A_138 : memref<1x128x128xf32, #tpu.memory_space<vmem>> -> memref<128x128xf32, #tpu.memory_space<vmem>>
    %dma_start3A_140 = arith.constant 0 : i32
    %dma_start3A_141 = tpu.memref_slice %arg5[%dma_start3A_134, %dma_start3A_140] : memref<50x128xi32, #tpu.memory_space<vmem>> -> memref<1x128xi32, #tpu.memory_space<vmem>>
    %dma_start3A_142 = tpu.memref_squeeze %dma_start3A_141 : memref<1x128xi32, #tpu.memory_space<vmem>> -> memref<128xi32, #tpu.memory_space<vmem>>
    %dma_start3A_143 = arith.constant 0 : i32
    %dma_start3A_144 = arith.constant 0 : i32
    %dma_start3A_145 = tpu.memref_slice %arg3[%dma_start3A_143, %dma_start3A_144] : memref<100001x128xf32, #tpu.memory_space<hbm>> -> memref<100001x128xf32, #tpu.memory_space<hbm>>
    tpu.enqueue_indirect_dma source(%dma_start3A_145 : memref<100001x128xf32, #tpu.memory_space<hbm>>) target(%dma_start3A_139 : memref<128x128xf32, #tpu.memory_space<vmem>>) offsets(%dma_start3A_142 : memref<128xi32, #tpu.memory_space<vmem>>) semaphore(%arg7 : memref<!tpu.dma_semaphore, #tpu.memory_space<semaphore_mem>>)
    %dma_wait3A_146 = arith.constant 2 : i32
    %dma_wait3A_147 = arith.constant 0 : i32
    %dma_wait3A_148 = arith.constant 0 : i32
    %dma_wait3A_149 = tpu.memref_slice %arg6[%dma_wait3A_146, %dma_wait3A_147, %dma_wait3A_148] : memref<5x128x128xf32, #tpu.memory_space<vmem>> -> memref<1x128x128xf32, #tpu.memory_space<vmem>>
    %dma_wait3A_150 = tpu.memref_squeeze %dma_wait3A_149 : memref<1x128x128xf32, #tpu.memory_space<vmem>> -> memref<128x128xf32, #tpu.memory_space<vmem>>
    %dma_wait3A_151 = arith.constant 0 : i32
    %dma_wait3A_152 = arith.constant 0 : i32
    %dma_wait3A_153 = tpu.memref_slice %arg3[%dma_wait3A_151, %dma_wait3A_152] : memref<100001x128xf32, #tpu.memory_space<hbm>> -> memref<128x128xf32, #tpu.memory_space<hbm>>
    %dma_wait3A_154 = arith.constant 0 : i32
    %dma_wait3A_155 = arith.constant 0 : i32
    %dma_wait3A_156 = tpu.memref_slice %arg6[%dma_wait3A_146, %dma_wait3A_154, %dma_wait3A_155] : memref<5x128x128xf32, #tpu.memory_space<vmem>> -> memref<1x128x128xf32, #tpu.memory_space<vmem>>
    %dma_wait3A_157 = tpu.memref_squeeze %dma_wait3A_156 : memref<1x128x128xf32, #tpu.memory_space<vmem>> -> memref<128x128xf32, #tpu.memory_space<vmem>>
    %dma_wait3A_158 = arith.constant 0 : i32
    %dma_wait3A_159 = arith.constant 0 : i32
    %dma_wait3A_160 = tpu.memref_slice %arg3[%dma_wait3A_158, %dma_wait3A_159] : memref<100001x128xf32, #tpu.memory_space<hbm>> -> memref<128x128xf32, #tpu.memory_space<hbm>>
    tpu.wait_dma2 semaphore(%arg9 : memref<!tpu.dma_semaphore, #tpu.memory_space<semaphore_mem>>) src(%dma_wait3A_160 : memref<128x128xf32, #tpu.memory_space<hbm>>) dst(%dma_wait3A_157 : memref<128x128xf32, #tpu.memory_space<vmem>>)
    %add3A_161 = arith.constant 8192 : i32
    %add3A_162 = arith.addi %add3A_161, %mul3A_2 : i32
    %dma_start3A_163 = arith.constant 2 : i32
    %dma_start3A_164 = arith.constant 0 : i32
    %dma_start3A_165 = arith.constant 0 : i32
    %dma_start3A_166 = tpu.memref_slice %arg6[%dma_start3A_163, %dma_start3A_164, %dma_start3A_165] : memref<5x128x128xf32, #tpu.memory_space<vmem>> -> memref<1x128x128xf32, #tpu.memory_space<vmem>>
    %dma_start3A_167 = tpu.memref_squeeze %dma_start3A_166 : memref<1x128x128xf32, #tpu.memory_space<vmem>> -> memref<128x128xf32, #tpu.memory_space<vmem>>
    %dma_start3A_168 = arith.constant 0 : i32
    %dma_start3A_169 = tpu.memref_slice %arg4[%add3A_162, %dma_start3A_168] : memref<204800x128xf32, #tpu.memory_space<hbm>> -> memref<128x128xf32, #tpu.memory_space<hbm>>
    %dma_start3A_170 = arith.constant 0 : i32
    %dma_start3A_171 = tpu.memref_slice %arg4[%add3A_162, %dma_start3A_170] : memref<204800x128xf32, #tpu.memory_space<hbm>> -> memref<128x128xf32, #tpu.memory_space<hbm>>
    %dma_start3A_172 = arith.constant 0 : i32
    %dma_start3A_173 = arith.constant 0 : i32
    %dma_start3A_174 = tpu.memref_slice %arg6[%dma_start3A_163, %dma_start3A_172, %dma_start3A_173] : memref<5x128x128xf32, #tpu.memory_space<vmem>> -> memref<1x128x128xf32, #tpu.memory_space<vmem>>
    %dma_start3A_175 = tpu.memref_squeeze %dma_start3A_174 : memref<1x128x128xf32, #tpu.memory_space<vmem>> -> memref<128x128xf32, #tpu.memory_space<vmem>>
    tpu.enqueue_dma source(%dma_start3A_175 : memref<128x128xf32, #tpu.memory_space<vmem>>) target(%dma_start3A_171 : memref<128x128xf32, #tpu.memory_space<hbm>>) target_semaphore(%arg14 : memref<!tpu.dma_semaphore, #tpu.memory_space<semaphore_mem>>)
    %dma_wait3A_176 = arith.constant 1 : i32
    %dma_wait3A_177 = arith.constant 0 : i32
    %dma_wait3A_178 = arith.constant 0 : i32
    %dma_wait3A_179 = tpu.memref_slice %arg6[%dma_wait3A_176, %dma_wait3A_177, %dma_wait3A_178] : memref<5x128x128xf32, #tpu.memory_space<vmem>> -> memref<1x128x128xf32, #tpu.memory_space<vmem>>
    %dma_wait3A_180 = tpu.memref_squeeze %dma_wait3A_179 : memref<1x128x128xf32, #tpu.memory_space<vmem>> -> memref<128x128xf32, #tpu.memory_space<vmem>>
    %dma_wait3A_181 = arith.constant 0 : i32
    %dma_wait3A_182 = tpu.memref_slice %arg4[%mul3A_2, %dma_wait3A_181] : memref<204800x128xf32, #tpu.memory_space<hbm>> -> memref<128x128xf32, #tpu.memory_space<hbm>>
    %dma_wait3A_183 = arith.constant 0 : i32
    %dma_wait3A_184 = tpu.memref_slice %arg4[%mul3A_2, %dma_wait3A_183] : memref<204800x128xf32, #tpu.memory_space<hbm>> -> memref<128x128xf32, #tpu.memory_space<hbm>>
    %dma_wait3A_185 = arith.constant 0 : i32
    %dma_wait3A_186 = arith.constant 0 : i32
    %dma_wait3A_187 = tpu.memref_slice %arg6[%dma_wait3A_176, %dma_wait3A_185, %dma_wait3A_186] : memref<5x128x128xf32, #tpu.memory_space<vmem>> -> memref<1x128x128xf32, #tpu.memory_space<vmem>>
    %dma_wait3A_188 = tpu.memref_squeeze %dma_wait3A_187 : memref<1x128x128xf32, #tpu.memory_space<vmem>> -> memref<128x128xf32, #tpu.memory_space<vmem>>
    tpu.wait_dma2 semaphore(%arg13 : memref<!tpu.dma_semaphore, #tpu.memory_space<semaphore_mem>>) src(%dma_wait3A_188 : memref<128x128xf32, #tpu.memory_space<vmem>>) dst(%dma_wait3A_184 : memref<128x128xf32, #tpu.memory_space<hbm>>)
    %dma_start3A_189 = arith.constant 6 : i32
    %dma_start3A_190 = arith.constant 1 : i32
    %dma_start3A_191 = arith.constant 0 : i32
    %dma_start3A_192 = arith.constant 0 : i32
    %dma_start3A_193 = tpu.memref_slice %arg6[%dma_start3A_190, %dma_start3A_191, %dma_start3A_192] : memref<5x128x128xf32, #tpu.memory_space<vmem>> -> memref<1x128x128xf32, #tpu.memory_space<vmem>>
    %dma_start3A_194 = tpu.memref_squeeze %dma_start3A_193 : memref<1x128x128xf32, #tpu.memory_space<vmem>> -> memref<128x128xf32, #tpu.memory_space<vmem>>
    %dma_start3A_195 = arith.constant 0 : i32
    %dma_start3A_196 = tpu.memref_slice %arg5[%dma_start3A_189, %dma_start3A_195] : memref<50x128xi32, #tpu.memory_space<vmem>> -> memref<1x128xi32, #tpu.memory_space<vmem>>
    %dma_start3A_197 = tpu.memref_squeeze %dma_start3A_196 : memref<1x128xi32, #tpu.memory_space<vmem>> -> memref<128xi32, #tpu.memory_space<vmem>>
    %dma_start3A_198 = arith.constant 0 : i32
    %dma_start3A_199 = arith.constant 0 : i32
    %dma_start3A_200 = tpu.memref_slice %arg3[%dma_start3A_198, %dma_start3A_199] : memref<100001x128xf32, #tpu.memory_space<hbm>> -> memref<100001x128xf32, #tpu.memory_space<hbm>>
    tpu.enqueue_indirect_dma source(%dma_start3A_200 : memref<100001x128xf32, #tpu.memory_space<hbm>>) target(%dma_start3A_194 : memref<128x128xf32, #tpu.memory_space<vmem>>) offsets(%dma_start3A_197 : memref<128xi32, #tpu.memory_space<vmem>>) semaphore(%arg8 : memref<!tpu.dma_semaphore, #tpu.memory_space<semaphore_mem>>)
    %dma_wait3A_201 = arith.constant 3 : i32
    %dma_wait3A_202 = arith.constant 0 : i32
    %dma_wait3A_203 = arith.constant 0 : i32
    %dma_wait3A_204 = tpu.memref_slice %arg6[%dma_wait3A_201, %dma_wait3A_202, %dma_wait3A_203] : memref<5x128x128xf32, #tpu.memory_space<vmem>> -> memref<1x128x128xf32, #tpu.memory_space<vmem>>
    %dma_wait3A_205 = tpu.memref_squeeze %dma_wait3A_204 : memref<1x128x128xf32, #tpu.memory_space<vmem>> -> memref<128x128xf32, #tpu.memory_space<vmem>>
    %dma_wait3A_206 = arith.constant 0 : i32
    %dma_wait3A_207 = arith.constant 0 : i32
    %dma_wait3A_208 = tpu.memref_slice %arg3[%dma_wait3A_206, %dma_wait3A_207] : memref<100001x128xf32, #tpu.memory_space<hbm>> -> memref<128x128xf32, #tpu.memory_space<hbm>>
    %dma_wait3A_209 = arith.constant 0 : i32
    %dma_wait3A_210 = arith.constant 0 : i32
    %dma_wait3A_211 = tpu.memref_slice %arg6[%dma_wait3A_201, %dma_wait3A_209, %dma_wait3A_210] : memref<5x128x128xf32, #tpu.memory_space<vmem>> -> memref<1x128x128xf32, #tpu.memory_space<vmem>>
    %dma_wait3A_212 = tpu.memref_squeeze %dma_wait3A_211 : memref<1x128x128xf32, #tpu.memory_space<vmem>> -> memref<128x128xf32, #tpu.memory_space<vmem>>
    %dma_wait3A_213 = arith.constant 0 : i32
    %dma_wait3A_214 = arith.constant 0 : i32
    %dma_wait3A_215 = tpu.memref_slice %arg3[%dma_wait3A_213, %dma_wait3A_214] : memref<100001x128xf32, #tpu.memory_space<hbm>> -> memref<128x128xf32, #tpu.memory_space<hbm>>
    tpu.wait_dma2 semaphore(%arg10 : memref<!tpu.dma_semaphore, #tpu.memory_space<semaphore_mem>>) src(%dma_wait3A_215 : memref<128x128xf32, #tpu.memory_space<hbm>>) dst(%dma_wait3A_212 : memref<128x128xf32, #tpu.memory_space<vmem>>)
    %add3A_216 = arith.constant 12288 : i32
    %add3A_217 = arith.addi %add3A_216, %mul3A_2 : i32
    %dma_start3A_218 = arith.constant 3 : i32
    %dma_start3A_219 = arith.constant 0 : i32
    %dma_start3A_220 = arith.constant 0 : i32
    %dma_start3A_221 = tpu.memref_slice %arg6[%dma_start3A_218, %dma_start3A_219, %dma_start3A_220] : memref<5x128x128xf32, #tpu.memory_space<vmem>> -> memref<1x128x128xf32, #tpu.memory_space<vmem>>
    %dma_start3A_222 = tpu.memref_squeeze %dma_start3A_221 : memref<1x128x128xf32, #tpu.memory_space<vmem>> -> memref<128x128xf32, #tpu.memory_space<vmem>>
    %dma_start3A_223 = arith.constant 0 : i32
    %dma_start3A_224 = tpu.memref_slice %arg4[%add3A_217, %dma_start3A_223] : memref<204800x128xf32, #tpu.memory_space<hbm>> -> memref<128x128xf32, #tpu.memory_space<hbm>>
    %dma_start3A_225 = arith.constant 0 : i32
    %dma_start3A_226 = tpu.memref_slice %arg4[%add3A_217, %dma_start3A_225] : memref<204800x128xf32, #tpu.memory_space<hbm>> -> memref<128x128xf32, #tpu.memory_space<hbm>>
    %dma_start3A_227 = arith.constant 0 : i32
    %dma_start3A_228 = arith.constant 0 : i32
    %dma_start3A_229 = tpu.memref_slice %arg6[%dma_start3A_218, %dma_start3A_227, %dma_start3A_228] : memref<5x128x128xf32, #tpu.memory_space<vmem>> -> memref<1x128x128xf32, #tpu.memory_space<vmem>>
    %dma_start3A_230 = tpu.memref_squeeze %dma_start3A_229 : memref<1x128x128xf32, #tpu.memory_space<vmem>> -> memref<128x128xf32, #tpu.memory_space<vmem>>
    tpu.enqueue_dma source(%dma_start3A_230 : memref<128x128xf32, #tpu.memory_space<vmem>>) target(%dma_start3A_226 : memref<128x128xf32, #tpu.memory_space<hbm>>) target_semaphore(%arg15 : memref<!tpu.dma_semaphore, #tpu.memory_space<semaphore_mem>>)
    %dma_wait3A_231 = arith.constant 2 : i32
    %dma_wait3A_232 = arith.constant 0 : i32
    %dma_wait3A_233 = arith.constant 0 : i32
    %dma_wait3A_234 = tpu.memref_slice %arg6[%dma_wait3A_231, %dma_wait3A_232, %dma_wait3A_233] : memref<5x128x128xf32, #tpu.memory_space<vmem>> -> memref<1x128x128xf32, #tpu.memory_space<vmem>>
    %dma_wait3A_235 = tpu.memref_squeeze %dma_wait3A_234 : memref<1x128x128xf32, #tpu.memory_space<vmem>> -> memref<128x128xf32, #tpu.memory_space<vmem>>
    %dma_wait3A_236 = arith.constant 0 : i32
    %dma_wait3A_237 = tpu.memref_slice %arg4[%mul3A_2, %dma_wait3A_236] : memref<204800x128xf32, #tpu.memory_space<hbm>> -> memref<128x128xf32, #tpu.memory_space<hbm>>
    %dma_wait3A_238 = arith.constant 0 : i32
    %dma_wait3A_239 = tpu.memref_slice %arg4[%mul3A_2, %dma_wait3A_238] : memref<204800x128xf32, #tpu.memory_space<hbm>> -> memref<128x128xf32, #tpu.memory_space<hbm>>
    %dma_wait3A_240 = arith.constant 0 : i32
    %dma_wait3A_241 = arith.constant 0 : i32
    %dma_wait3A_242 = tpu.memref_slice %arg6[%dma_wait3A_231, %dma_wait3A_240, %dma_wait3A_241] : memref<5x128x128xf32, #tpu.memory_space<vmem>> -> memref<1x128x128xf32, #tpu.memory_space<vmem>>
    %dma_wait3A_243 = tpu.memref_squeeze %dma_wait3A_242 : memref<1x128x128xf32, #tpu.memory_space<vmem>> -> memref<128x128xf32, #tpu.memory_space<vmem>>
    tpu.wait_dma2 semaphore(%arg14 : memref<!tpu.dma_semaphore, #tpu.memory_space<semaphore_mem>>) src(%dma_wait3A_243 : memref<128x128xf32, #tpu.memory_space<vmem>>) dst(%dma_wait3A_239 : memref<128x128xf32, #tpu.memory_space<hbm>>)
    %dma_start3A_244 = arith.constant 7 : i32
    %dma_start3A_245 = arith.constant 2 : i32
    %dma_start3A_246 = arith.constant 0 : i32
    %dma_start3A_247 = arith.constant 0 : i32
    %dma_start3A_248 = tpu.memref_slice %arg6[%dma_start3A_245, %dma_start3A_246, %dma_start3A_247] : memref<5x128x128xf32, #tpu.memory_space<vmem>> -> memref<1x128x128xf32, #tpu.memory_space<vmem>>
    %dma_start3A_249 = tpu.memref_squeeze %dma_start3A_248 : memref<1x128x128xf32, #tpu.memory_space<vmem>> -> memref<128x128xf32, #tpu.memory_space<vmem>>
    %dma_start3A_250 = arith.constant 0 : i32
    %dma_start3A_251 = tpu.memref_slice %arg5[%dma_start3A_244, %dma_start3A_250] : memref<50x128xi32, #tpu.memory_space<vmem>> -> memref<1x128xi32, #tpu.memory_space<vmem>>
    %dma_start3A_252 = tpu.memref_squeeze %dma_start3A_251 : memref<1x128xi32, #tpu.memory_space<vmem>> -> memref<128xi32, #tpu.memory_space<vmem>>
    %dma_start3A_253 = arith.constant 0 : i32
    %dma_start3A_254 = arith.constant 0 : i32
    %dma_start3A_255 = tpu.memref_slice %arg3[%dma_start3A_253, %dma_start3A_254] : memref<100001x128xf32, #tpu.memory_space<hbm>> -> memref<100001x128xf32, #tpu.memory_space<hbm>>
    tpu.enqueue_indirect_dma source(%dma_start3A_255 : memref<100001x128xf32, #tpu.memory_space<hbm>>) target(%dma_start3A_249 : memref<128x128xf32, #tpu.memory_space<vmem>>) offsets(%dma_start3A_252 : memref<128xi32, #tpu.memory_space<vmem>>) semaphore(%arg9 : memref<!tpu.dma_semaphore, #tpu.memory_space<semaphore_mem>>)
    %dma_wait3A_256 = arith.constant 4 : i32
    %dma_wait3A_257 = arith.constant 0 : i32
    %dma_wait3A_258 = arith.constant 0 : i32
    %dma_wait3A_259 = tpu.memref_slice %arg6[%dma_wait3A_256, %dma_wait3A_257, %dma_wait3A_258] : memref<5x128x128xf32, #tpu.memory_space<vmem>> -> memref<1x128x128xf32, #tpu.memory_space<vmem>>
    %dma_wait3A_260 = tpu.memref_squeeze %dma_wait3A_259 : memref<1x128x128xf32, #tpu.memory_space<vmem>> -> memref<128x128xf32, #tpu.memory_space<vmem>>
    %dma_wait3A_261 = arith.constant 0 : i32
    %dma_wait3A_262 = arith.constant 0 : i32
    %dma_wait3A_263 = tpu.memref_slice %arg3[%dma_wait3A_261, %dma_wait3A_262] : memref<100001x128xf32, #tpu.memory_space<hbm>> -> memref<128x128xf32, #tpu.memory_space<hbm>>
    %dma_wait3A_264 = arith.constant 0 : i32
    %dma_wait3A_265 = arith.constant 0 : i32
    %dma_wait3A_266 = tpu.memref_slice %arg6[%dma_wait3A_256, %dma_wait3A_264, %dma_wait3A_265] : memref<5x128x128xf32, #tpu.memory_space<vmem>> -> memref<1x128x128xf32, #tpu.memory_space<vmem>>
    %dma_wait3A_267 = tpu.memref_squeeze %dma_wait3A_266 : memref<1x128x128xf32, #tpu.memory_space<vmem>> -> memref<128x128xf32, #tpu.memory_space<vmem>>
    %dma_wait3A_268 = arith.constant 0 : i32
    %dma_wait3A_269 = arith.constant 0 : i32
    %dma_wait3A_270 = tpu.memref_slice %arg3[%dma_wait3A_268, %dma_wait3A_269] : memref<100001x128xf32, #tpu.memory_space<hbm>> -> memref<128x128xf32, #tpu.memory_space<hbm>>
    tpu.wait_dma2 semaphore(%arg11 : memref<!tpu.dma_semaphore, #tpu.memory_space<semaphore_mem>>) src(%dma_wait3A_270 : memref<128x128xf32, #tpu.memory_space<hbm>>) dst(%dma_wait3A_267 : memref<128x128xf32, #tpu.memory_space<vmem>>)
    %add3A_271 = arith.constant 16384 : i32
    %add3A_272 = arith.addi %add3A_271, %mul3A_2 : i32
    %dma_start3A_273 = arith.constant 4 : i32
    %dma_start3A_274 = arith.constant 0 : i32
    %dma_start3A_275 = arith.constant 0 : i32
    %dma_start3A_276 = tpu.memref_slice %arg6[%dma_start3A_273, %dma_start3A_274, %dma_start3A_275] : memref<5x128x128xf32, #tpu.memory_space<vmem>> -> memref<1x128x128xf32, #tpu.memory_space<vmem>>
    %dma_start3A_277 = tpu.memref_squeeze %dma_start3A_276 : memref<1x128x128xf32, #tpu.memory_space<vmem>> -> memref<128x128xf32, #tpu.memory_space<vmem>>
    %dma_start3A_278 = arith.constant 0 : i32
    %dma_start3A_279 = tpu.memref_slice %arg4[%add3A_272, %dma_start3A_278] : memref<204800x128xf32, #tpu.memory_space<hbm>> -> memref<128x128xf32, #tpu.memory_space<hbm>>
    %dma_start3A_280 = arith.constant 0 : i32
    %dma_start3A_281 = tpu.memref_slice %arg4[%add3A_272, %dma_start3A_280] : memref<204800x128xf32, #tpu.memory_space<hbm>> -> memref<128x128xf32, #tpu.memory_space<hbm>>
    %dma_start3A_282 = arith.constant 0 : i32
    %dma_start3A_283 = arith.constant 0 : i32
    %dma_start3A_284 = tpu.memref_slice %arg6[%dma_start3A_273, %dma_start3A_282, %dma_start3A_283] : memref<5x128x128xf32, #tpu.memory_space<vmem>> -> memref<1x128x128xf32, #tpu.memory_space<vmem>>
    %dma_start3A_285 = tpu.memref_squeeze %dma_start3A_284 : memref<1x128x128xf32, #tpu.memory_space<vmem>> -> memref<128x128xf32, #tpu.memory_space<vmem>>
    tpu.enqueue_dma source(%dma_start3A_285 : memref<128x128xf32, #tpu.memory_space<vmem>>) target(%dma_start3A_281 : memref<128x128xf32, #tpu.memory_space<hbm>>) target_semaphore(%arg16 : memref<!tpu.dma_semaphore, #tpu.memory_space<semaphore_mem>>)
    %dma_wait3A_286 = arith.constant 3 : i32
    %dma_wait3A_287 = arith.constant 0 : i32
    %dma_wait3A_288 = arith.constant 0 : i32
    %dma_wait3A_289 = tpu.memref_slice %arg6[%dma_wait3A_286, %dma_wait3A_287, %dma_wait3A_288] : memref<5x128x128xf32, #tpu.memory_space<vmem>> -> memref<1x128x128xf32, #tpu.memory_space<vmem>>
    %dma_wait3A_290 = tpu.memref_squeeze %dma_wait3A_289 : memref<1x128x128xf32, #tpu.memory_space<vmem>> -> memref<128x128xf32, #tpu.memory_space<vmem>>
    %dma_wait3A_291 = arith.constant 0 : i32
    %dma_wait3A_292 = tpu.memref_slice %arg4[%mul3A_2, %dma_wait3A_291] : memref<204800x128xf32, #tpu.memory_space<hbm>> -> memref<128x128xf32, #tpu.memory_space<hbm>>
    %dma_wait3A_293 = arith.constant 0 : i32
    %dma_wait3A_294 = tpu.memref_slice %arg4[%mul3A_2, %dma_wait3A_293] : memref<204800x128xf32, #tpu.memory_space<hbm>> -> memref<128x128xf32, #tpu.memory_space<hbm>>
    %dma_wait3A_295 = arith.constant 0 : i32
    %dma_wait3A_296 = arith.constant 0 : i32
    %dma_wait3A_297 = tpu.memref_slice %arg6[%dma_wait3A_286, %dma_wait3A_295, %dma_wait3A_296] : memref<5x128x128xf32, #tpu.memory_space<vmem>> -> memref<1x128x128xf32, #tpu.memory_space<vmem>>
    %dma_wait3A_298 = tpu.memref_squeeze %dma_wait3A_297 : memref<1x128x128xf32, #tpu.memory_space<vmem>> -> memref<128x128xf32, #tpu.memory_space<vmem>>
    tpu.wait_dma2 semaphore(%arg15 : memref<!tpu.dma_semaphore, #tpu.memory_space<semaphore_mem>>) src(%dma_wait3A_298 : memref<128x128xf32, #tpu.memory_space<vmem>>) dst(%dma_wait3A_294 : memref<128x128xf32, #tpu.memory_space<hbm>>)
    %dma_start3A_299 = arith.constant 8 : i32
    %dma_start3A_300 = arith.constant 3 : i32
    %dma_start3A_301 = arith.constant 0 : i32
    %dma_start3A_302 = arith.constant 0 : i32
    %dma_start3A_303 = tpu.memref_slice %arg6[%dma_start3A_300, %dma_start3A_301, %dma_start3A_302] : memref<5x128x128xf32, #tpu.memory_space<vmem>> -> memref<1x128x128xf32, #tpu.memory_space<vmem>>
    %dma_start3A_304 = tpu.memref_squeeze %dma_start3A_303 : memref<1x128x128xf32, #tpu.memory_space<vmem>> -> memref<128x128xf32, #tpu.memory_space<vmem>>
    %dma_start3A_305 = arith.constant 0 : i32
    %dma_start3A_306 = tpu.memref_slice %arg5[%dma_start3A_299, %dma_start3A_305] : memref<50x128xi32, #tpu.memory_space<vmem>> -> memref<1x128xi32, #tpu.memory_space<vmem>>
    %dma_start3A_307 = tpu.memref_squeeze %dma_start3A_306 : memref<1x128xi32, #tpu.memory_space<vmem>> -> memref<128xi32, #tpu.memory_space<vmem>>
    %dma_start3A_308 = arith.constant 0 : i32
    %dma_start3A_309 = arith.constant 0 : i32
    %dma_start3A_310 = tpu.memref_slice %arg3[%dma_start3A_308, %dma_start3A_309] : memref<100001x128xf32, #tpu.memory_space<hbm>> -> memref<100001x128xf32, #tpu.memory_space<hbm>>
    tpu.enqueue_indirect_dma source(%dma_start3A_310 : memref<100001x128xf32, #tpu.memory_space<hbm>>) target(%dma_start3A_304 : memref<128x128xf32, #tpu.memory_space<vmem>>) offsets(%dma_start3A_307 : memref<128xi32, #tpu.memory_space<vmem>>) semaphore(%arg10 : memref<!tpu.dma_semaphore, #tpu.memory_space<semaphore_mem>>)
    %scan3A = arith.constant 0 : i32
    %scan3A_311 = arith.constant 1 : i32
    %scan3A_312 = arith.constant 8 : i32
    %scan3A_313 = arith.addi %scan3A_311, %scan3A_312 : i32
    %scan3A_314 = arith.constant 1 : i32
    scf.for %scan3A_556 = %scan3A_311 to %scan3A_313 step %scan3A_314  : i32 {
      %mul3A_557 = arith.constant 5 : i32
      %mul3A_558 = arith.muli %scan3A_556, %mul3A_557 : i32
      %add3A_559 = arith.constant 0 : i32
      %add3A_560 = arith.addi %mul3A_558, %add3A_559 : i32
      %dma_wait3A_561 = arith.constant 0 : i32
      %dma_wait3A_562 = arith.constant 0 : i32
      %dma_wait3A_563 = arith.constant 0 : i32
      %dma_wait3A_564 = tpu.memref_slice %arg6[%dma_wait3A_561, %dma_wait3A_562, %dma_wait3A_563] : memref<5x128x128xf32, #tpu.memory_space<vmem>> -> memref<1x128x128xf32, #tpu.memory_space<vmem>>
      %dma_wait3A_565 = tpu.memref_squeeze %dma_wait3A_564 : memref<1x128x128xf32, #tpu.memory_space<vmem>> -> memref<128x128xf32, #tpu.memory_space<vmem>>
      %dma_wait3A_566 = arith.constant 0 : i32
      %dma_wait3A_567 = arith.constant 0 : i32
      %dma_wait3A_568 = tpu.memref_slice %arg3[%dma_wait3A_566, %dma_wait3A_567] : memref<100001x128xf32, #tpu.memory_space<hbm>> -> memref<128x128xf32, #tpu.memory_space<hbm>>
      %dma_wait3A_569 = arith.constant 0 : i32
      %dma_wait3A_570 = arith.constant 0 : i32
      %dma_wait3A_571 = tpu.memref_slice %arg6[%dma_wait3A_561, %dma_wait3A_569, %dma_wait3A_570] : memref<5x128x128xf32, #tpu.memory_space<vmem>> -> memref<1x128x128xf32, #tpu.memory_space<vmem>>
      %dma_wait3A_572 = tpu.memref_squeeze %dma_wait3A_571 : memref<1x128x128xf32, #tpu.memory_space<vmem>> -> memref<128x128xf32, #tpu.memory_space<vmem>>
      %dma_wait3A_573 = arith.constant 0 : i32
      %dma_wait3A_574 = arith.constant 0 : i32
      %dma_wait3A_575 = tpu.memref_slice %arg3[%dma_wait3A_573, %dma_wait3A_574] : memref<100001x128xf32, #tpu.memory_space<hbm>> -> memref<128x128xf32, #tpu.memory_space<hbm>>
      tpu.wait_dma2 semaphore(%arg7 : memref<!tpu.dma_semaphore, #tpu.memory_space<semaphore_mem>>) src(%dma_wait3A_575 : memref<128x128xf32, #tpu.memory_space<hbm>>) dst(%dma_wait3A_572 : memref<128x128xf32, #tpu.memory_space<vmem>>)
      %mul3A_576 = arith.constant 4096 : i32
      %mul3A_577 = arith.muli %add3A_560, %mul3A_576 : i32
      %add3A_578 = arith.addi %mul3A_577, %mul3A_2 : i32
      %dma_start3A_579 = arith.constant 0 : i32
      %dma_start3A_580 = arith.constant 0 : i32
      %dma_start3A_581 = arith.constant 0 : i32
      %dma_start3A_582 = tpu.memref_slice %arg6[%dma_start3A_579, %dma_start3A_580, %dma_start3A_581] : memref<5x128x128xf32, #tpu.memory_space<vmem>> -> memref<1x128x128xf32, #tpu.memory_space<vmem>>
      %dma_start3A_583 = tpu.memref_squeeze %dma_start3A_582 : memref<1x128x128xf32, #tpu.memory_space<vmem>> -> memref<128x128xf32, #tpu.memory_space<vmem>>
      %dma_start3A_584 = arith.constant 0 : i32
      %dma_start3A_585 = tpu.memref_slice %arg4[%add3A_578, %dma_start3A_584] : memref<204800x128xf32, #tpu.memory_space<hbm>> -> memref<128x128xf32, #tpu.memory_space<hbm>>
      %dma_start3A_586 = arith.constant 0 : i32
      %dma_start3A_587 = tpu.memref_slice %arg4[%add3A_578, %dma_start3A_586] : memref<204800x128xf32, #tpu.memory_space<hbm>> -> memref<128x128xf32, #tpu.memory_space<hbm>>
      %dma_start3A_588 = arith.constant 0 : i32
      %dma_start3A_589 = arith.constant 0 : i32
      %dma_start3A_590 = tpu.memref_slice %arg6[%dma_start3A_579, %dma_start3A_588, %dma_start3A_589] : memref<5x128x128xf32, #tpu.memory_space<vmem>> -> memref<1x128x128xf32, #tpu.memory_space<vmem>>
      %dma_start3A_591 = tpu.memref_squeeze %dma_start3A_590 : memref<1x128x128xf32, #tpu.memory_space<vmem>> -> memref<128x128xf32, #tpu.memory_space<vmem>>
      tpu.enqueue_dma source(%dma_start3A_591 : memref<128x128xf32, #tpu.memory_space<vmem>>) target(%dma_start3A_587 : memref<128x128xf32, #tpu.memory_space<hbm>>) target_semaphore(%arg12 : memref<!tpu.dma_semaphore, #tpu.memory_space<semaphore_mem>>)
      %dma_wait3A_592 = arith.constant 4 : i32
      %dma_wait3A_593 = arith.constant 0 : i32
      %dma_wait3A_594 = arith.constant 0 : i32
      %dma_wait3A_595 = tpu.memref_slice %arg6[%dma_wait3A_592, %dma_wait3A_593, %dma_wait3A_594] : memref<5x128x128xf32, #tpu.memory_space<vmem>> -> memref<1x128x128xf32, #tpu.memory_space<vmem>>
      %dma_wait3A_596 = tpu.memref_squeeze %dma_wait3A_595 : memref<1x128x128xf32, #tpu.memory_space<vmem>> -> memref<128x128xf32, #tpu.memory_space<vmem>>
      %dma_wait3A_597 = arith.constant 0 : i32
      %dma_wait3A_598 = tpu.memref_slice %arg4[%mul3A_2, %dma_wait3A_597] : memref<204800x128xf32, #tpu.memory_space<hbm>> -> memref<128x128xf32, #tpu.memory_space<hbm>>
      %dma_wait3A_599 = arith.constant 0 : i32
      %dma_wait3A_600 = tpu.memref_slice %arg4[%mul3A_2, %dma_wait3A_599] : memref<204800x128xf32, #tpu.memory_space<hbm>> -> memref<128x128xf32, #tpu.memory_space<hbm>>
      %dma_wait3A_601 = arith.constant 0 : i32
      %dma_wait3A_602 = arith.constant 0 : i32
      %dma_wait3A_603 = tpu.memref_slice %arg6[%dma_wait3A_592, %dma_wait3A_601, %dma_wait3A_602] : memref<5x128x128xf32, #tpu.memory_space<vmem>> -> memref<1x128x128xf32, #tpu.memory_space<vmem>>
      %dma_wait3A_604 = tpu.memref_squeeze %dma_wait3A_603 : memref<1x128x128xf32, #tpu.memory_space<vmem>> -> memref<128x128xf32, #tpu.memory_space<vmem>>
      tpu.wait_dma2 semaphore(%arg16 : memref<!tpu.dma_semaphore, #tpu.memory_space<semaphore_mem>>) src(%dma_wait3A_604 : memref<128x128xf32, #tpu.memory_space<vmem>>) dst(%dma_wait3A_600 : memref<128x128xf32, #tpu.memory_space<hbm>>)
      %add3A_605 = arith.constant 4 : i32
      %add3A_606 = arith.addi %add3A_560, %add3A_605 : i32
      %dma_start3A_607 = arith.constant 4 : i32
      %dma_start3A_608 = arith.constant 0 : i32
      %dma_start3A_609 = arith.constant 0 : i32
      %dma_start3A_610 = tpu.memref_slice %arg6[%dma_start3A_607, %dma_start3A_608, %dma_start3A_609] : memref<5x128x128xf32, #tpu.memory_space<vmem>> -> memref<1x128x128xf32, #tpu.memory_space<vmem>>
      %dma_start3A_611 = tpu.memref_squeeze %dma_start3A_610 : memref<1x128x128xf32, #tpu.memory_space<vmem>> -> memref<128x128xf32, #tpu.memory_space<vmem>>
      %dma_start3A_612 = arith.constant 0 : i32
      %dma_start3A_613 = tpu.memref_slice %arg5[%add3A_606, %dma_start3A_612] : memref<50x128xi32, #tpu.memory_space<vmem>> -> memref<1x128xi32, #tpu.memory_space<vmem>>
      %dma_start3A_614 = tpu.memref_squeeze %dma_start3A_613 : memref<1x128xi32, #tpu.memory_space<vmem>> -> memref<128xi32, #tpu.memory_space<vmem>>
      %dma_start3A_615 = arith.constant 0 : i32
      %dma_start3A_616 = arith.constant 0 : i32
      %dma_start3A_617 = tpu.memref_slice %arg3[%dma_start3A_615, %dma_start3A_616] : memref<100001x128xf32, #tpu.memory_space<hbm>> -> memref<100001x128xf32, #tpu.memory_space<hbm>>
      tpu.enqueue_indirect_dma source(%dma_start3A_617 : memref<100001x128xf32, #tpu.memory_space<hbm>>) target(%dma_start3A_611 : memref<128x128xf32, #tpu.memory_space<vmem>>) offsets(%dma_start3A_614 : memref<128xi32, #tpu.memory_space<vmem>>) semaphore(%arg11 : memref<!tpu.dma_semaphore, #tpu.memory_space<semaphore_mem>>)
      %mul3A_618 = arith.constant 5 : i32
      %mul3A_619 = arith.muli %scan3A_556, %mul3A_618 : i32
      %add3A_620 = arith.constant 1 : i32
      %add3A_621 = arith.addi %mul3A_619, %add3A_620 : i32
      %dma_wait3A_622 = arith.constant 1 : i32
      %dma_wait3A_623 = arith.constant 0 : i32
      %dma_wait3A_624 = arith.constant 0 : i32
      %dma_wait3A_625 = tpu.memref_slice %arg6[%dma_wait3A_622, %dma_wait3A_623, %dma_wait3A_624] : memref<5x128x128xf32, #tpu.memory_space<vmem>> -> memref<1x128x128xf32, #tpu.memory_space<vmem>>
      %dma_wait3A_626 = tpu.memref_squeeze %dma_wait3A_625 : memref<1x128x128xf32, #tpu.memory_space<vmem>> -> memref<128x128xf32, #tpu.memory_space<vmem>>
      %dma_wait3A_627 = arith.constant 0 : i32
      %dma_wait3A_628 = arith.constant 0 : i32
      %dma_wait3A_629 = tpu.memref_slice %arg3[%dma_wait3A_627, %dma_wait3A_628] : memref<100001x128xf32, #tpu.memory_space<hbm>> -> memref<128x128xf32, #tpu.memory_space<hbm>>
      %dma_wait3A_630 = arith.constant 0 : i32
      %dma_wait3A_631 = arith.constant 0 : i32
      %dma_wait3A_632 = tpu.memref_slice %arg6[%dma_wait3A_622, %dma_wait3A_630, %dma_wait3A_631] : memref<5x128x128xf32, #tpu.memory_space<vmem>> -> memref<1x128x128xf32, #tpu.memory_space<vmem>>
      %dma_wait3A_633 = tpu.memref_squeeze %dma_wait3A_632 : memref<1x128x128xf32, #tpu.memory_space<vmem>> -> memref<128x128xf32, #tpu.memory_space<vmem>>
      %dma_wait3A_634 = arith.constant 0 : i32
      %dma_wait3A_635 = arith.constant 0 : i32
      %dma_wait3A_636 = tpu.memref_slice %arg3[%dma_wait3A_634, %dma_wait3A_635] : memref<100001x128xf32, #tpu.memory_space<hbm>> -> memref<128x128xf32, #tpu.memory_space<hbm>>
      tpu.wait_dma2 semaphore(%arg8 : memref<!tpu.dma_semaphore, #tpu.memory_space<semaphore_mem>>) src(%dma_wait3A_636 : memref<128x128xf32, #tpu.memory_space<hbm>>) dst(%dma_wait3A_633 : memref<128x128xf32, #tpu.memory_space<vmem>>)
      %mul3A_637 = arith.constant 4096 : i32
      %mul3A_638 = arith.muli %add3A_621, %mul3A_637 : i32
      %add3A_639 = arith.addi %mul3A_638, %mul3A_2 : i32
      %dma_start3A_640 = arith.constant 1 : i32
      %dma_start3A_641 = arith.constant 0 : i32
      %dma_start3A_642 = arith.constant 0 : i32
      %dma_start3A_643 = tpu.memref_slice %arg6[%dma_start3A_640, %dma_start3A_641, %dma_start3A_642] : memref<5x128x128xf32, #tpu.memory_space<vmem>> -> memref<1x128x128xf32, #tpu.memory_space<vmem>>
      %dma_start3A_644 = tpu.memref_squeeze %dma_start3A_643 : memref<1x128x128xf32, #tpu.memory_space<vmem>> -> memref<128x128xf32, #tpu.memory_space<vmem>>
      %dma_start3A_645 = arith.constant 0 : i32
      %dma_start3A_646 = tpu.memref_slice %arg4[%add3A_639, %dma_start3A_645] : memref<204800x128xf32, #tpu.memory_space<hbm>> -> memref<128x128xf32, #tpu.memory_space<hbm>>
      %dma_start3A_647 = arith.constant 0 : i32
      %dma_start3A_648 = tpu.memref_slice %arg4[%add3A_639, %dma_start3A_647] : memref<204800x128xf32, #tpu.memory_space<hbm>> -> memref<128x128xf32, #tpu.memory_space<hbm>>
      %dma_start3A_649 = arith.constant 0 : i32
      %dma_start3A_650 = arith.constant 0 : i32
      %dma_start3A_651 = tpu.memref_slice %arg6[%dma_start3A_640, %dma_start3A_649, %dma_start3A_650] : memref<5x128x128xf32, #tpu.memory_space<vmem>> -> memref<1x128x128xf32, #tpu.memory_space<vmem>>
      %dma_start3A_652 = tpu.memref_squeeze %dma_start3A_651 : memref<1x128x128xf32, #tpu.memory_space<vmem>> -> memref<128x128xf32, #tpu.memory_space<vmem>>
      tpu.enqueue_dma source(%dma_start3A_652 : memref<128x128xf32, #tpu.memory_space<vmem>>) target(%dma_start3A_648 : memref<128x128xf32, #tpu.memory_space<hbm>>) target_semaphore(%arg13 : memref<!tpu.dma_semaphore, #tpu.memory_space<semaphore_mem>>)
      %dma_wait3A_653 = arith.constant 0 : i32
      %dma_wait3A_654 = arith.constant 0 : i32
      %dma_wait3A_655 = arith.constant 0 : i32
      %dma_wait3A_656 = tpu.memref_slice %arg6[%dma_wait3A_653, %dma_wait3A_654, %dma_wait3A_655] : memref<5x128x128xf32, #tpu.memory_space<vmem>> -> memref<1x128x128xf32, #tpu.memory_space<vmem>>
      %dma_wait3A_657 = tpu.memref_squeeze %dma_wait3A_656 : memref<1x128x128xf32, #tpu.memory_space<vmem>> -> memref<128x128xf32, #tpu.memory_space<vmem>>
      %dma_wait3A_658 = arith.constant 0 : i32
      %dma_wait3A_659 = tpu.memref_slice %arg4[%mul3A_2, %dma_wait3A_658] : memref<204800x128xf32, #tpu.memory_space<hbm>> -> memref<128x128xf32, #tpu.memory_space<hbm>>
      %dma_wait3A_660 = arith.constant 0 : i32
      %dma_wait3A_661 = tpu.memref_slice %arg4[%mul3A_2, %dma_wait3A_660] : memref<204800x128xf32, #tpu.memory_space<hbm>> -> memref<128x128xf32, #tpu.memory_space<hbm>>
      %dma_wait3A_662 = arith.constant 0 : i32
      %dma_wait3A_663 = arith.constant 0 : i32
      %dma_wait3A_664 = tpu.memref_slice %arg6[%dma_wait3A_653, %dma_wait3A_662, %dma_wait3A_663] : memref<5x128x128xf32, #tpu.memory_space<vmem>> -> memref<1x128x128xf32, #tpu.memory_space<vmem>>
      %dma_wait3A_665 = tpu.memref_squeeze %dma_wait3A_664 : memref<1x128x128xf32, #tpu.memory_space<vmem>> -> memref<128x128xf32, #tpu.memory_space<vmem>>
      tpu.wait_dma2 semaphore(%arg12 : memref<!tpu.dma_semaphore, #tpu.memory_space<semaphore_mem>>) src(%dma_wait3A_665 : memref<128x128xf32, #tpu.memory_space<vmem>>) dst(%dma_wait3A_661 : memref<128x128xf32, #tpu.memory_space<hbm>>)
      %add3A_666 = arith.constant 4 : i32
      %add3A_667 = arith.addi %add3A_621, %add3A_666 : i32
      %dma_start3A_668 = arith.constant 0 : i32
      %dma_start3A_669 = arith.constant 0 : i32
      %dma_start3A_670 = arith.constant 0 : i32
      %dma_start3A_671 = tpu.memref_slice %arg6[%dma_start3A_668, %dma_start3A_669, %dma_start3A_670] : memref<5x128x128xf32, #tpu.memory_space<vmem>> -> memref<1x128x128xf32, #tpu.memory_space<vmem>>
      %dma_start3A_672 = tpu.memref_squeeze %dma_start3A_671 : memref<1x128x128xf32, #tpu.memory_space<vmem>> -> memref<128x128xf32, #tpu.memory_space<vmem>>
      %dma_start3A_673 = arith.constant 0 : i32
      %dma_start3A_674 = tpu.memref_slice %arg5[%add3A_667, %dma_start3A_673] : memref<50x128xi32, #tpu.memory_space<vmem>> -> memref<1x128xi32, #tpu.memory_space<vmem>>
      %dma_start3A_675 = tpu.memref_squeeze %dma_start3A_674 : memref<1x128xi32, #tpu.memory_space<vmem>> -> memref<128xi32, #tpu.memory_space<vmem>>
      %dma_start3A_676 = arith.constant 0 : i32
      %dma_start3A_677 = arith.constant 0 : i32
      %dma_start3A_678 = tpu.memref_slice %arg3[%dma_start3A_676, %dma_start3A_677] : memref<100001x128xf32, #tpu.memory_space<hbm>> -> memref<100001x128xf32, #tpu.memory_space<hbm>>
      tpu.enqueue_indirect_dma source(%dma_start3A_678 : memref<100001x128xf32, #tpu.memory_space<hbm>>) target(%dma_start3A_672 : memref<128x128xf32, #tpu.memory_space<vmem>>) offsets(%dma_start3A_675 : memref<128xi32, #tpu.memory_space<vmem>>) semaphore(%arg7 : memref<!tpu.dma_semaphore, #tpu.memory_space<semaphore_mem>>)
      %mul3A_679 = arith.constant 5 : i32
      %mul3A_680 = arith.muli %scan3A_556, %mul3A_679 : i32
      %add3A_681 = arith.constant 2 : i32
      %add3A_682 = arith.addi %mul3A_680, %add3A_681 : i32
      %dma_wait3A_683 = arith.constant 2 : i32
      %dma_wait3A_684 = arith.constant 0 : i32
      %dma_wait3A_685 = arith.constant 0 : i32
      %dma_wait3A_686 = tpu.memref_slice %arg6[%dma_wait3A_683, %dma_wait3A_684, %dma_wait3A_685] : memref<5x128x128xf32, #tpu.memory_space<vmem>> -> memref<1x128x128xf32, #tpu.memory_space<vmem>>
      %dma_wait3A_687 = tpu.memref_squeeze %dma_wait3A_686 : memref<1x128x128xf32, #tpu.memory_space<vmem>> -> memref<128x128xf32, #tpu.memory_space<vmem>>
      %dma_wait3A_688 = arith.constant 0 : i32
      %dma_wait3A_689 = arith.constant 0 : i32
      %dma_wait3A_690 = tpu.memref_slice %arg3[%dma_wait3A_688, %dma_wait3A_689] : memref<100001x128xf32, #tpu.memory_space<hbm>> -> memref<128x128xf32, #tpu.memory_space<hbm>>
      %dma_wait3A_691 = arith.constant 0 : i32
      %dma_wait3A_692 = arith.constant 0 : i32
      %dma_wait3A_693 = tpu.memref_slice %arg6[%dma_wait3A_683, %dma_wait3A_691, %dma_wait3A_692] : memref<5x128x128xf32, #tpu.memory_space<vmem>> -> memref<1x128x128xf32, #tpu.memory_space<vmem>>
      %dma_wait3A_694 = tpu.memref_squeeze %dma_wait3A_693 : memref<1x128x128xf32, #tpu.memory_space<vmem>> -> memref<128x128xf32, #tpu.memory_space<vmem>>
      %dma_wait3A_695 = arith.constant 0 : i32
      %dma_wait3A_696 = arith.constant 0 : i32
      %dma_wait3A_697 = tpu.memref_slice %arg3[%dma_wait3A_695, %dma_wait3A_696] : memref<100001x128xf32, #tpu.memory_space<hbm>> -> memref<128x128xf32, #tpu.memory_space<hbm>>
      tpu.wait_dma2 semaphore(%arg9 : memref<!tpu.dma_semaphore, #tpu.memory_space<semaphore_mem>>) src(%dma_wait3A_697 : memref<128x128xf32, #tpu.memory_space<hbm>>) dst(%dma_wait3A_694 : memref<128x128xf32, #tpu.memory_space<vmem>>)
      %mul3A_698 = arith.constant 4096 : i32
      %mul3A_699 = arith.muli %add3A_682, %mul3A_698 : i32
      %add3A_700 = arith.addi %mul3A_699, %mul3A_2 : i32
      %dma_start3A_701 = arith.constant 2 : i32
      %dma_start3A_702 = arith.constant 0 : i32
      %dma_start3A_703 = arith.constant 0 : i32
      %dma_start3A_704 = tpu.memref_slice %arg6[%dma_start3A_701, %dma_start3A_702, %dma_start3A_703] : memref<5x128x128xf32, #tpu.memory_space<vmem>> -> memref<1x128x128xf32, #tpu.memory_space<vmem>>
      %dma_start3A_705 = tpu.memref_squeeze %dma_start3A_704 : memref<1x128x128xf32, #tpu.memory_space<vmem>> -> memref<128x128xf32, #tpu.memory_space<vmem>>
      %dma_start3A_706 = arith.constant 0 : i32
      %dma_start3A_707 = tpu.memref_slice %arg4[%add3A_700, %dma_start3A_706] : memref<204800x128xf32, #tpu.memory_space<hbm>> -> memref<128x128xf32, #tpu.memory_space<hbm>>
      %dma_start3A_708 = arith.constant 0 : i32
      %dma_start3A_709 = tpu.memref_slice %arg4[%add3A_700, %dma_start3A_708] : memref<204800x128xf32, #tpu.memory_space<hbm>> -> memref<128x128xf32, #tpu.memory_space<hbm>>
      %dma_start3A_710 = arith.constant 0 : i32
      %dma_start3A_711 = arith.constant 0 : i32
      %dma_start3A_712 = tpu.memref_slice %arg6[%dma_start3A_701, %dma_start3A_710, %dma_start3A_711] : memref<5x128x128xf32, #tpu.memory_space<vmem>> -> memref<1x128x128xf32, #tpu.memory_space<vmem>>
      %dma_start3A_713 = tpu.memref_squeeze %dma_start3A_712 : memref<1x128x128xf32, #tpu.memory_space<vmem>> -> memref<128x128xf32, #tpu.memory_space<vmem>>
      tpu.enqueue_dma source(%dma_start3A_713 : memref<128x128xf32, #tpu.memory_space<vmem>>) target(%dma_start3A_709 : memref<128x128xf32, #tpu.memory_space<hbm>>) target_semaphore(%arg14 : memref<!tpu.dma_semaphore, #tpu.memory_space<semaphore_mem>>)
      %dma_wait3A_714 = arith.constant 1 : i32
      %dma_wait3A_715 = arith.constant 0 : i32
      %dma_wait3A_716 = arith.constant 0 : i32
      %dma_wait3A_717 = tpu.memref_slice %arg6[%dma_wait3A_714, %dma_wait3A_715, %dma_wait3A_716] : memref<5x128x128xf32, #tpu.memory_space<vmem>> -> memref<1x128x128xf32, #tpu.memory_space<vmem>>
      %dma_wait3A_718 = tpu.memref_squeeze %dma_wait3A_717 : memref<1x128x128xf32, #tpu.memory_space<vmem>> -> memref<128x128xf32, #tpu.memory_space<vmem>>
      %dma_wait3A_719 = arith.constant 0 : i32
      %dma_wait3A_720 = tpu.memref_slice %arg4[%mul3A_2, %dma_wait3A_719] : memref<204800x128xf32, #tpu.memory_space<hbm>> -> memref<128x128xf32, #tpu.memory_space<hbm>>
      %dma_wait3A_721 = arith.constant 0 : i32
      %dma_wait3A_722 = tpu.memref_slice %arg4[%mul3A_2, %dma_wait3A_721] : memref<204800x128xf32, #tpu.memory_space<hbm>> -> memref<128x128xf32, #tpu.memory_space<hbm>>
      %dma_wait3A_723 = arith.constant 0 : i32
      %dma_wait3A_724 = arith.constant 0 : i32
      %dma_wait3A_725 = tpu.memref_slice %arg6[%dma_wait3A_714, %dma_wait3A_723, %dma_wait3A_724] : memref<5x128x128xf32, #tpu.memory_space<vmem>> -> memref<1x128x128xf32, #tpu.memory_space<vmem>>
      %dma_wait3A_726 = tpu.memref_squeeze %dma_wait3A_725 : memref<1x128x128xf32, #tpu.memory_space<vmem>> -> memref<128x128xf32, #tpu.memory_space<vmem>>
      tpu.wait_dma2 semaphore(%arg13 : memref<!tpu.dma_semaphore, #tpu.memory_space<semaphore_mem>>) src(%dma_wait3A_726 : memref<128x128xf32, #tpu.memory_space<vmem>>) dst(%dma_wait3A_722 : memref<128x128xf32, #tpu.memory_space<hbm>>)
      %add3A_727 = arith.constant 4 : i32
      %add3A_728 = arith.addi %add3A_682, %add3A_727 : i32
      %dma_start3A_729 = arith.constant 1 : i32
      %dma_start3A_730 = arith.constant 0 : i32
      %dma_start3A_731 = arith.constant 0 : i32
      %dma_start3A_732 = tpu.memref_slice %arg6[%dma_start3A_729, %dma_start3A_730, %dma_start3A_731] : memref<5x128x128xf32, #tpu.memory_space<vmem>> -> memref<1x128x128xf32, #tpu.memory_space<vmem>>
      %dma_start3A_733 = tpu.memref_squeeze %dma_start3A_732 : memref<1x128x128xf32, #tpu.memory_space<vmem>> -> memref<128x128xf32, #tpu.memory_space<vmem>>
      %dma_start3A_734 = arith.constant 0 : i32
      %dma_start3A_735 = tpu.memref_slice %arg5[%add3A_728, %dma_start3A_734] : memref<50x128xi32, #tpu.memory_space<vmem>> -> memref<1x128xi32, #tpu.memory_space<vmem>>
      %dma_start3A_736 = tpu.memref_squeeze %dma_start3A_735 : memref<1x128xi32, #tpu.memory_space<vmem>> -> memref<128xi32, #tpu.memory_space<vmem>>
      %dma_start3A_737 = arith.constant 0 : i32
      %dma_start3A_738 = arith.constant 0 : i32
      %dma_start3A_739 = tpu.memref_slice %arg3[%dma_start3A_737, %dma_start3A_738] : memref<100001x128xf32, #tpu.memory_space<hbm>> -> memref<100001x128xf32, #tpu.memory_space<hbm>>
      tpu.enqueue_indirect_dma source(%dma_start3A_739 : memref<100001x128xf32, #tpu.memory_space<hbm>>) target(%dma_start3A_733 : memref<128x128xf32, #tpu.memory_space<vmem>>) offsets(%dma_start3A_736 : memref<128xi32, #tpu.memory_space<vmem>>) semaphore(%arg8 : memref<!tpu.dma_semaphore, #tpu.memory_space<semaphore_mem>>)
      %mul3A_740 = arith.constant 5 : i32
      %mul3A_741 = arith.muli %scan3A_556, %mul3A_740 : i32
      %add3A_742 = arith.constant 3 : i32
      %add3A_743 = arith.addi %mul3A_741, %add3A_742 : i32
      %dma_wait3A_744 = arith.constant 3 : i32
      %dma_wait3A_745 = arith.constant 0 : i32
      %dma_wait3A_746 = arith.constant 0 : i32
      %dma_wait3A_747 = tpu.memref_slice %arg6[%dma_wait3A_744, %dma_wait3A_745, %dma_wait3A_746] : memref<5x128x128xf32, #tpu.memory_space<vmem>> -> memref<1x128x128xf32, #tpu.memory_space<vmem>>
      %dma_wait3A_748 = tpu.memref_squeeze %dma_wait3A_747 : memref<1x128x128xf32, #tpu.memory_space<vmem>> -> memref<128x128xf32, #tpu.memory_space<vmem>>
      %dma_wait3A_749 = arith.constant 0 : i32
      %dma_wait3A_750 = arith.constant 0 : i32
      %dma_wait3A_751 = tpu.memref_slice %arg3[%dma_wait3A_749, %dma_wait3A_750] : memref<100001x128xf32, #tpu.memory_space<hbm>> -> memref<128x128xf32, #tpu.memory_space<hbm>>
      %dma_wait3A_752 = arith.constant 0 : i32
      %dma_wait3A_753 = arith.constant 0 : i32
      %dma_wait3A_754 = tpu.memref_slice %arg6[%dma_wait3A_744, %dma_wait3A_752, %dma_wait3A_753] : memref<5x128x128xf32, #tpu.memory_space<vmem>> -> memref<1x128x128xf32, #tpu.memory_space<vmem>>
      %dma_wait3A_755 = tpu.memref_squeeze %dma_wait3A_754 : memref<1x128x128xf32, #tpu.memory_space<vmem>> -> memref<128x128xf32, #tpu.memory_space<vmem>>
      %dma_wait3A_756 = arith.constant 0 : i32
      %dma_wait3A_757 = arith.constant 0 : i32
      %dma_wait3A_758 = tpu.memref_slice %arg3[%dma_wait3A_756, %dma_wait3A_757] : memref<100001x128xf32, #tpu.memory_space<hbm>> -> memref<128x128xf32, #tpu.memory_space<hbm>>
      tpu.wait_dma2 semaphore(%arg10 : memref<!tpu.dma_semaphore, #tpu.memory_space<semaphore_mem>>) src(%dma_wait3A_758 : memref<128x128xf32, #tpu.memory_space<hbm>>) dst(%dma_wait3A_755 : memref<128x128xf32, #tpu.memory_space<vmem>>)
      %mul3A_759 = arith.constant 4096 : i32
      %mul3A_760 = arith.muli %add3A_743, %mul3A_759 : i32
      %add3A_761 = arith.addi %mul3A_760, %mul3A_2 : i32
      %dma_start3A_762 = arith.constant 3 : i32
      %dma_start3A_763 = arith.constant 0 : i32
      %dma_start3A_764 = arith.constant 0 : i32
      %dma_start3A_765 = tpu.memref_slice %arg6[%dma_start3A_762, %dma_start3A_763, %dma_start3A_764] : memref<5x128x128xf32, #tpu.memory_space<vmem>> -> memref<1x128x128xf32, #tpu.memory_space<vmem>>
      %dma_start3A_766 = tpu.memref_squeeze %dma_start3A_765 : memref<1x128x128xf32, #tpu.memory_space<vmem>> -> memref<128x128xf32, #tpu.memory_space<vmem>>
      %dma_start3A_767 = arith.constant 0 : i32
      %dma_start3A_768 = tpu.memref_slice %arg4[%add3A_761, %dma_start3A_767] : memref<204800x128xf32, #tpu.memory_space<hbm>> -> memref<128x128xf32, #tpu.memory_space<hbm>>
      %dma_start3A_769 = arith.constant 0 : i32
      %dma_start3A_770 = tpu.memref_slice %arg4[%add3A_761, %dma_start3A_769] : memref<204800x128xf32, #tpu.memory_space<hbm>> -> memref<128x128xf32, #tpu.memory_space<hbm>>
      %dma_start3A_771 = arith.constant 0 : i32
      %dma_start3A_772 = arith.constant 0 : i32
      %dma_start3A_773 = tpu.memref_slice %arg6[%dma_start3A_762, %dma_start3A_771, %dma_start3A_772] : memref<5x128x128xf32, #tpu.memory_space<vmem>> -> memref<1x128x128xf32, #tpu.memory_space<vmem>>
      %dma_start3A_774 = tpu.memref_squeeze %dma_start3A_773 : memref<1x128x128xf32, #tpu.memory_space<vmem>> -> memref<128x128xf32, #tpu.memory_space<vmem>>
      tpu.enqueue_dma source(%dma_start3A_774 : memref<128x128xf32, #tpu.memory_space<vmem>>) target(%dma_start3A_770 : memref<128x128xf32, #tpu.memory_space<hbm>>) target_semaphore(%arg15 : memref<!tpu.dma_semaphore, #tpu.memory_space<semaphore_mem>>)
      %dma_wait3A_775 = arith.constant 2 : i32
      %dma_wait3A_776 = arith.constant 0 : i32
      %dma_wait3A_777 = arith.constant 0 : i32
      %dma_wait3A_778 = tpu.memref_slice %arg6[%dma_wait3A_775, %dma_wait3A_776, %dma_wait3A_777] : memref<5x128x128xf32, #tpu.memory_space<vmem>> -> memref<1x128x128xf32, #tpu.memory_space<vmem>>
      %dma_wait3A_779 = tpu.memref_squeeze %dma_wait3A_778 : memref<1x128x128xf32, #tpu.memory_space<vmem>> -> memref<128x128xf32, #tpu.memory_space<vmem>>
      %dma_wait3A_780 = arith.constant 0 : i32
      %dma_wait3A_781 = tpu.memref_slice %arg4[%mul3A_2, %dma_wait3A_780] : memref<204800x128xf32, #tpu.memory_space<hbm>> -> memref<128x128xf32, #tpu.memory_space<hbm>>
      %dma_wait3A_782 = arith.constant 0 : i32
      %dma_wait3A_783 = tpu.memref_slice %arg4[%mul3A_2, %dma_wait3A_782] : memref<204800x128xf32, #tpu.memory_space<hbm>> -> memref<128x128xf32, #tpu.memory_space<hbm>>
      %dma_wait3A_784 = arith.constant 0 : i32
      %dma_wait3A_785 = arith.constant 0 : i32
      %dma_wait3A_786 = tpu.memref_slice %arg6[%dma_wait3A_775, %dma_wait3A_784, %dma_wait3A_785] : memref<5x128x128xf32, #tpu.memory_space<vmem>> -> memref<1x128x128xf32, #tpu.memory_space<vmem>>
      %dma_wait3A_787 = tpu.memref_squeeze %dma_wait3A_786 : memref<1x128x128xf32, #tpu.memory_space<vmem>> -> memref<128x128xf32, #tpu.memory_space<vmem>>
      tpu.wait_dma2 semaphore(%arg14 : memref<!tpu.dma_semaphore, #tpu.memory_space<semaphore_mem>>) src(%dma_wait3A_787 : memref<128x128xf32, #tpu.memory_space<vmem>>) dst(%dma_wait3A_783 : memref<128x128xf32, #tpu.memory_space<hbm>>)
      %add3A_788 = arith.constant 4 : i32
      %add3A_789 = arith.addi %add3A_743, %add3A_788 : i32
      %dma_start3A_790 = arith.constant 2 : i32
      %dma_start3A_791 = arith.constant 0 : i32
      %dma_start3A_792 = arith.constant 0 : i32
      %dma_start3A_793 = tpu.memref_slice %arg6[%dma_start3A_790, %dma_start3A_791, %dma_start3A_792] : memref<5x128x128xf32, #tpu.memory_space<vmem>> -> memref<1x128x128xf32, #tpu.memory_space<vmem>>
      %dma_start3A_794 = tpu.memref_squeeze %dma_start3A_793 : memref<1x128x128xf32, #tpu.memory_space<vmem>> -> memref<128x128xf32, #tpu.memory_space<vmem>>
      %dma_start3A_795 = arith.constant 0 : i32
      %dma_start3A_796 = tpu.memref_slice %arg5[%add3A_789, %dma_start3A_795] : memref<50x128xi32, #tpu.memory_space<vmem>> -> memref<1x128xi32, #tpu.memory_space<vmem>>
      %dma_start3A_797 = tpu.memref_squeeze %dma_start3A_796 : memref<1x128xi32, #tpu.memory_space<vmem>> -> memref<128xi32, #tpu.memory_space<vmem>>
      %dma_start3A_798 = arith.constant 0 : i32
      %dma_start3A_799 = arith.constant 0 : i32
      %dma_start3A_800 = tpu.memref_slice %arg3[%dma_start3A_798, %dma_start3A_799] : memref<100001x128xf32, #tpu.memory_space<hbm>> -> memref<100001x128xf32, #tpu.memory_space<hbm>>
      tpu.enqueue_indirect_dma source(%dma_start3A_800 : memref<100001x128xf32, #tpu.memory_space<hbm>>) target(%dma_start3A_794 : memref<128x128xf32, #tpu.memory_space<vmem>>) offsets(%dma_start3A_797 : memref<128xi32, #tpu.memory_space<vmem>>) semaphore(%arg9 : memref<!tpu.dma_semaphore, #tpu.memory_space<semaphore_mem>>)
      %mul3A_801 = arith.constant 5 : i32
      %mul3A_802 = arith.muli %scan3A_556, %mul3A_801 : i32
      %add3A_803 = arith.constant 4 : i32
      %add3A_804 = arith.addi %mul3A_802, %add3A_803 : i32
      %dma_wait3A_805 = arith.constant 4 : i32
      %dma_wait3A_806 = arith.constant 0 : i32
      %dma_wait3A_807 = arith.constant 0 : i32
      %dma_wait3A_808 = tpu.memref_slice %arg6[%dma_wait3A_805, %dma_wait3A_806, %dma_wait3A_807] : memref<5x128x128xf32, #tpu.memory_space<vmem>> -> memref<1x128x128xf32, #tpu.memory_space<vmem>>
      %dma_wait3A_809 = tpu.memref_squeeze %dma_wait3A_808 : memref<1x128x128xf32, #tpu.memory_space<vmem>> -> memref<128x128xf32, #tpu.memory_space<vmem>>
      %dma_wait3A_810 = arith.constant 0 : i32
      %dma_wait3A_811 = arith.constant 0 : i32
      %dma_wait3A_812 = tpu.memref_slice %arg3[%dma_wait3A_810, %dma_wait3A_811] : memref<100001x128xf32, #tpu.memory_space<hbm>> -> memref<128x128xf32, #tpu.memory_space<hbm>>
      %dma_wait3A_813 = arith.constant 0 : i32
      %dma_wait3A_814 = arith.constant 0 : i32
      %dma_wait3A_815 = tpu.memref_slice %arg6[%dma_wait3A_805, %dma_wait3A_813, %dma_wait3A_814] : memref<5x128x128xf32, #tpu.memory_space<vmem>> -> memref<1x128x128xf32, #tpu.memory_space<vmem>>
      %dma_wait3A_816 = tpu.memref_squeeze %dma_wait3A_815 : memref<1x128x128xf32, #tpu.memory_space<vmem>> -> memref<128x128xf32, #tpu.memory_space<vmem>>
      %dma_wait3A_817 = arith.constant 0 : i32
      %dma_wait3A_818 = arith.constant 0 : i32
      %dma_wait3A_819 = tpu.memref_slice %arg3[%dma_wait3A_817, %dma_wait3A_818] : memref<100001x128xf32, #tpu.memory_space<hbm>> -> memref<128x128xf32, #tpu.memory_space<hbm>>
      tpu.wait_dma2 semaphore(%arg11 : memref<!tpu.dma_semaphore, #tpu.memory_space<semaphore_mem>>) src(%dma_wait3A_819 : memref<128x128xf32, #tpu.memory_space<hbm>>) dst(%dma_wait3A_816 : memref<128x128xf32, #tpu.memory_space<vmem>>)
      %mul3A_820 = arith.constant 4096 : i32
      %mul3A_821 = arith.muli %add3A_804, %mul3A_820 : i32
      %add3A_822 = arith.addi %mul3A_821, %mul3A_2 : i32
      %dma_start3A_823 = arith.constant 4 : i32
      %dma_start3A_824 = arith.constant 0 : i32
      %dma_start3A_825 = arith.constant 0 : i32
      %dma_start3A_826 = tpu.memref_slice %arg6[%dma_start3A_823, %dma_start3A_824, %dma_start3A_825] : memref<5x128x128xf32, #tpu.memory_space<vmem>> -> memref<1x128x128xf32, #tpu.memory_space<vmem>>
      %dma_start3A_827 = tpu.memref_squeeze %dma_start3A_826 : memref<1x128x128xf32, #tpu.memory_space<vmem>> -> memref<128x128xf32, #tpu.memory_space<vmem>>
      %dma_start3A_828 = arith.constant 0 : i32
      %dma_start3A_829 = tpu.memref_slice %arg4[%add3A_822, %dma_start3A_828] : memref<204800x128xf32, #tpu.memory_space<hbm>> -> memref<128x128xf32, #tpu.memory_space<hbm>>
      %dma_start3A_830 = arith.constant 0 : i32
      %dma_start3A_831 = tpu.memref_slice %arg4[%add3A_822, %dma_start3A_830] : memref<204800x128xf32, #tpu.memory_space<hbm>> -> memref<128x128xf32, #tpu.memory_space<hbm>>
      %dma_start3A_832 = arith.constant 0 : i32
      %dma_start3A_833 = arith.constant 0 : i32
      %dma_start3A_834 = tpu.memref_slice %arg6[%dma_start3A_823, %dma_start3A_832, %dma_start3A_833] : memref<5x128x128xf32, #tpu.memory_space<vmem>> -> memref<1x128x128xf32, #tpu.memory_space<vmem>>
      %dma_start3A_835 = tpu.memref_squeeze %dma_start3A_834 : memref<1x128x128xf32, #tpu.memory_space<vmem>> -> memref<128x128xf32, #tpu.memory_space<vmem>>
      tpu.enqueue_dma source(%dma_start3A_835 : memref<128x128xf32, #tpu.memory_space<vmem>>) target(%dma_start3A_831 : memref<128x128xf32, #tpu.memory_space<hbm>>) target_semaphore(%arg16 : memref<!tpu.dma_semaphore, #tpu.memory_space<semaphore_mem>>)
      %dma_wait3A_836 = arith.constant 3 : i32
      %dma_wait3A_837 = arith.constant 0 : i32
      %dma_wait3A_838 = arith.constant 0 : i32
      %dma_wait3A_839 = tpu.memref_slice %arg6[%dma_wait3A_836, %dma_wait3A_837, %dma_wait3A_838] : memref<5x128x128xf32, #tpu.memory_space<vmem>> -> memref<1x128x128xf32, #tpu.memory_space<vmem>>
      %dma_wait3A_840 = tpu.memref_squeeze %dma_wait3A_839 : memref<1x128x128xf32, #tpu.memory_space<vmem>> -> memref<128x128xf32, #tpu.memory_space<vmem>>
      %dma_wait3A_841 = arith.constant 0 : i32
      %dma_wait3A_842 = tpu.memref_slice %arg4[%mul3A_2, %dma_wait3A_841] : memref<204800x128xf32, #tpu.memory_space<hbm>> -> memref<128x128xf32, #tpu.memory_space<hbm>>
      %dma_wait3A_843 = arith.constant 0 : i32
      %dma_wait3A_844 = tpu.memref_slice %arg4[%mul3A_2, %dma_wait3A_843] : memref<204800x128xf32, #tpu.memory_space<hbm>> -> memref<128x128xf32, #tpu.memory_space<hbm>>
      %dma_wait3A_845 = arith.constant 0 : i32
      %dma_wait3A_846 = arith.constant 0 : i32
      %dma_wait3A_847 = tpu.memref_slice %arg6[%dma_wait3A_836, %dma_wait3A_845, %dma_wait3A_846] : memref<5x128x128xf32, #tpu.memory_space<vmem>> -> memref<1x128x128xf32, #tpu.memory_space<vmem>>
      %dma_wait3A_848 = tpu.memref_squeeze %dma_wait3A_847 : memref<1x128x128xf32, #tpu.memory_space<vmem>> -> memref<128x128xf32, #tpu.memory_space<vmem>>
      tpu.wait_dma2 semaphore(%arg15 : memref<!tpu.dma_semaphore, #tpu.memory_space<semaphore_mem>>) src(%dma_wait3A_848 : memref<128x128xf32, #tpu.memory_space<vmem>>) dst(%dma_wait3A_844 : memref<128x128xf32, #tpu.memory_space<hbm>>)
      %add3A_849 = arith.constant 4 : i32
      %add3A_850 = arith.addi %add3A_804, %add3A_849 : i32
      %dma_start3A_851 = arith.constant 3 : i32
      %dma_start3A_852 = arith.constant 0 : i32
      %dma_start3A_853 = arith.constant 0 : i32
      %dma_start3A_854 = tpu.memref_slice %arg6[%dma_start3A_851, %dma_start3A_852, %dma_start3A_853] : memref<5x128x128xf32, #tpu.memory_space<vmem>> -> memref<1x128x128xf32, #tpu.memory_space<vmem>>
      %dma_start3A_855 = tpu.memref_squeeze %dma_start3A_854 : memref<1x128x128xf32, #tpu.memory_space<vmem>> -> memref<128x128xf32, #tpu.memory_space<vmem>>
      %dma_start3A_856 = arith.constant 0 : i32
      %dma_start3A_857 = tpu.memref_slice %arg5[%add3A_850, %dma_start3A_856] : memref<50x128xi32, #tpu.memory_space<vmem>> -> memref<1x128xi32, #tpu.memory_space<vmem>>
      %dma_start3A_858 = tpu.memref_squeeze %dma_start3A_857 : memref<1x128xi32, #tpu.memory_space<vmem>> -> memref<128xi32, #tpu.memory_space<vmem>>
      %dma_start3A_859 = arith.constant 0 : i32
      %dma_start3A_860 = arith.constant 0 : i32
      %dma_start3A_861 = tpu.memref_slice %arg3[%dma_start3A_859, %dma_start3A_860] : memref<100001x128xf32, #tpu.memory_space<hbm>> -> memref<100001x128xf32, #tpu.memory_space<hbm>>
      tpu.enqueue_indirect_dma source(%dma_start3A_861 : memref<100001x128xf32, #tpu.memory_space<hbm>>) target(%dma_start3A_855 : memref<128x128xf32, #tpu.memory_space<vmem>>) offsets(%dma_start3A_858 : memref<128xi32, #tpu.memory_space<vmem>>) semaphore(%arg10 : memref<!tpu.dma_semaphore, #tpu.memory_space<semaphore_mem>>)
    }
    %scan3A_315 = arith.constant 8 : i32
    %dma_wait3A_316 = arith.constant 0 : i32
    %dma_wait3A_317 = arith.constant 0 : i32
    %dma_wait3A_318 = arith.constant 0 : i32
    %dma_wait3A_319 = tpu.memref_slice %arg6[%dma_wait3A_316, %dma_wait3A_317, %dma_wait3A_318] : memref<5x128x128xf32, #tpu.memory_space<vmem>> -> memref<1x128x128xf32, #tpu.memory_space<vmem>>
    %dma_wait3A_320 = tpu.memref_squeeze %dma_wait3A_319 : memref<1x128x128xf32, #tpu.memory_space<vmem>> -> memref<128x128xf32, #tpu.memory_space<vmem>>
    %dma_wait3A_321 = arith.constant 0 : i32
    %dma_wait3A_322 = arith.constant 0 : i32
    %dma_wait3A_323 = tpu.memref_slice %arg3[%dma_wait3A_321, %dma_wait3A_322] : memref<100001x128xf32, #tpu.memory_space<hbm>> -> memref<128x128xf32, #tpu.memory_space<hbm>>
    %dma_wait3A_324 = arith.constant 0 : i32
    %dma_wait3A_325 = arith.constant 0 : i32
    %dma_wait3A_326 = tpu.memref_slice %arg6[%dma_wait3A_316, %dma_wait3A_324, %dma_wait3A_325] : memref<5x128x128xf32, #tpu.memory_space<vmem>> -> memref<1x128x128xf32, #tpu.memory_space<vmem>>
    %dma_wait3A_327 = tpu.memref_squeeze %dma_wait3A_326 : memref<1x128x128xf32, #tpu.memory_space<vmem>> -> memref<128x128xf32, #tpu.memory_space<vmem>>
    %dma_wait3A_328 = arith.constant 0 : i32
    %dma_wait3A_329 = arith.constant 0 : i32
    %dma_wait3A_330 = tpu.memref_slice %arg3[%dma_wait3A_328, %dma_wait3A_329] : memref<100001x128xf32, #tpu.memory_space<hbm>> -> memref<128x128xf32, #tpu.memory_space<hbm>>
    tpu.wait_dma2 semaphore(%arg7 : memref<!tpu.dma_semaphore, #tpu.memory_space<semaphore_mem>>) src(%dma_wait3A_330 : memref<128x128xf32, #tpu.memory_space<hbm>>) dst(%dma_wait3A_327 : memref<128x128xf32, #tpu.memory_space<vmem>>)
    %add3A_331 = arith.constant 184320 : i32
    %add3A_332 = arith.addi %add3A_331, %mul3A_2 : i32
    %dma_start3A_333 = arith.constant 0 : i32
    %dma_start3A_334 = arith.constant 0 : i32
    %dma_start3A_335 = arith.constant 0 : i32
    %dma_start3A_336 = tpu.memref_slice %arg6[%dma_start3A_333, %dma_start3A_334, %dma_start3A_335] : memref<5x128x128xf32, #tpu.memory_space<vmem>> -> memref<1x128x128xf32, #tpu.memory_space<vmem>>
    %dma_start3A_337 = tpu.memref_squeeze %dma_start3A_336 : memref<1x128x128xf32, #tpu.memory_space<vmem>> -> memref<128x128xf32, #tpu.memory_space<vmem>>
    %dma_start3A_338 = arith.constant 0 : i32
    %dma_start3A_339 = tpu.memref_slice %arg4[%add3A_332, %dma_start3A_338] : memref<204800x128xf32, #tpu.memory_space<hbm>> -> memref<128x128xf32, #tpu.memory_space<hbm>>
    %dma_start3A_340 = arith.constant 0 : i32
    %dma_start3A_341 = tpu.memref_slice %arg4[%add3A_332, %dma_start3A_340] : memref<204800x128xf32, #tpu.memory_space<hbm>> -> memref<128x128xf32, #tpu.memory_space<hbm>>
    %dma_start3A_342 = arith.constant 0 : i32
    %dma_start3A_343 = arith.constant 0 : i32
    %dma_start3A_344 = tpu.memref_slice %arg6[%dma_start3A_333, %dma_start3A_342, %dma_start3A_343] : memref<5x128x128xf32, #tpu.memory_space<vmem>> -> memref<1x128x128xf32, #tpu.memory_space<vmem>>
    %dma_start3A_345 = tpu.memref_squeeze %dma_start3A_344 : memref<1x128x128xf32, #tpu.memory_space<vmem>> -> memref<128x128xf32, #tpu.memory_space<vmem>>
    tpu.enqueue_dma source(%dma_start3A_345 : memref<128x128xf32, #tpu.memory_space<vmem>>) target(%dma_start3A_341 : memref<128x128xf32, #tpu.memory_space<hbm>>) target_semaphore(%arg12 : memref<!tpu.dma_semaphore, #tpu.memory_space<semaphore_mem>>)
    %dma_wait3A_346 = arith.constant 4 : i32
    %dma_wait3A_347 = arith.constant 0 : i32
    %dma_wait3A_348 = arith.constant 0 : i32
    %dma_wait3A_349 = tpu.memref_slice %arg6[%dma_wait3A_346, %dma_wait3A_347, %dma_wait3A_348] : memref<5x128x128xf32, #tpu.memory_space<vmem>> -> memref<1x128x128xf32, #tpu.memory_space<vmem>>
    %dma_wait3A_350 = tpu.memref_squeeze %dma_wait3A_349 : memref<1x128x128xf32, #tpu.memory_space<vmem>> -> memref<128x128xf32, #tpu.memory_space<vmem>>
    %dma_wait3A_351 = arith.constant 0 : i32
    %dma_wait3A_352 = tpu.memref_slice %arg4[%mul3A_2, %dma_wait3A_351] : memref<204800x128xf32, #tpu.memory_space<hbm>> -> memref<128x128xf32, #tpu.memory_space<hbm>>
    %dma_wait3A_353 = arith.constant 0 : i32
    %dma_wait3A_354 = tpu.memref_slice %arg4[%mul3A_2, %dma_wait3A_353] : memref<204800x128xf32, #tpu.memory_space<hbm>> -> memref<128x128xf32, #tpu.memory_space<hbm>>
    %dma_wait3A_355 = arith.constant 0 : i32
    %dma_wait3A_356 = arith.constant 0 : i32
    %dma_wait3A_357 = tpu.memref_slice %arg6[%dma_wait3A_346, %dma_wait3A_355, %dma_wait3A_356] : memref<5x128x128xf32, #tpu.memory_space<vmem>> -> memref<1x128x128xf32, #tpu.memory_space<vmem>>
    %dma_wait3A_358 = tpu.memref_squeeze %dma_wait3A_357 : memref<1x128x128xf32, #tpu.memory_space<vmem>> -> memref<128x128xf32, #tpu.memory_space<vmem>>
    tpu.wait_dma2 semaphore(%arg16 : memref<!tpu.dma_semaphore, #tpu.memory_space<semaphore_mem>>) src(%dma_wait3A_358 : memref<128x128xf32, #tpu.memory_space<vmem>>) dst(%dma_wait3A_354 : memref<128x128xf32, #tpu.memory_space<hbm>>)
    %dma_start3A_359 = arith.constant 49 : i32
    %dma_start3A_360 = arith.constant 4 : i32
    %dma_start3A_361 = arith.constant 0 : i32
    %dma_start3A_362 = arith.constant 0 : i32
    %dma_start3A_363 = tpu.memref_slice %arg6[%dma_start3A_360, %dma_start3A_361, %dma_start3A_362] : memref<5x128x128xf32, #tpu.memory_space<vmem>> -> memref<1x128x128xf32, #tpu.memory_space<vmem>>
    %dma_start3A_364 = tpu.memref_squeeze %dma_start3A_363 : memref<1x128x128xf32, #tpu.memory_space<vmem>> -> memref<128x128xf32, #tpu.memory_space<vmem>>
    %dma_start3A_365 = arith.constant 0 : i32
    %dma_start3A_366 = tpu.memref_slice %arg5[%dma_start3A_359, %dma_start3A_365] : memref<50x128xi32, #tpu.memory_space<vmem>> -> memref<1x128xi32, #tpu.memory_space<vmem>>
    %dma_start3A_367 = tpu.memref_squeeze %dma_start3A_366 : memref<1x128xi32, #tpu.memory_space<vmem>> -> memref<128xi32, #tpu.memory_space<vmem>>
    %dma_start3A_368 = arith.constant 0 : i32
    %dma_start3A_369 = arith.constant 0 : i32
    %dma_start3A_370 = tpu.memref_slice %arg3[%dma_start3A_368, %dma_start3A_369] : memref<100001x128xf32, #tpu.memory_space<hbm>> -> memref<100001x128xf32, #tpu.memory_space<hbm>>
    tpu.enqueue_indirect_dma source(%dma_start3A_370 : memref<100001x128xf32, #tpu.memory_space<hbm>>) target(%dma_start3A_364 : memref<128x128xf32, #tpu.memory_space<vmem>>) offsets(%dma_start3A_367 : memref<128xi32, #tpu.memory_space<vmem>>) semaphore(%arg11 : memref<!tpu.dma_semaphore, #tpu.memory_space<semaphore_mem>>)
    %dma_wait3A_371 = arith.constant 1 : i32
    %dma_wait3A_372 = arith.constant 0 : i32
    %dma_wait3A_373 = arith.constant 0 : i32
    %dma_wait3A_374 = tpu.memref_slice %arg6[%dma_wait3A_371, %dma_wait3A_372, %dma_wait3A_373] : memref<5x128x128xf32, #tpu.memory_space<vmem>> -> memref<1x128x128xf32, #tpu.memory_space<vmem>>
    %dma_wait3A_375 = tpu.memref_squeeze %dma_wait3A_374 : memref<1x128x128xf32, #tpu.memory_space<vmem>> -> memref<128x128xf32, #tpu.memory_space<vmem>>
    %dma_wait3A_376 = arith.constant 0 : i32
    %dma_wait3A_377 = arith.constant 0 : i32
    %dma_wait3A_378 = tpu.memref_slice %arg3[%dma_wait3A_376, %dma_wait3A_377] : memref<100001x128xf32, #tpu.memory_space<hbm>> -> memref<128x128xf32, #tpu.memory_space<hbm>>
    %dma_wait3A_379 = arith.constant 0 : i32
    %dma_wait3A_380 = arith.constant 0 : i32
    %dma_wait3A_381 = tpu.memref_slice %arg6[%dma_wait3A_371, %dma_wait3A_379, %dma_wait3A_380] : memref<5x128x128xf32, #tpu.memory_space<vmem>> -> memref<1x128x128xf32, #tpu.memory_space<vmem>>
    %dma_wait3A_382 = tpu.memref_squeeze %dma_wait3A_381 : memref<1x128x128xf32, #tpu.memory_space<vmem>> -> memref<128x128xf32, #tpu.memory_space<vmem>>
    %dma_wait3A_383 = arith.constant 0 : i32
    %dma_wait3A_384 = arith.constant 0 : i32
    %dma_wait3A_385 = tpu.memref_slice %arg3[%dma_wait3A_383, %dma_wait3A_384] : memref<100001x128xf32, #tpu.memory_space<hbm>> -> memref<128x128xf32, #tpu.memory_space<hbm>>
    tpu.wait_dma2 semaphore(%arg8 : memref<!tpu.dma_semaphore, #tpu.memory_space<semaphore_mem>>) src(%dma_wait3A_385 : memref<128x128xf32, #tpu.memory_space<hbm>>) dst(%dma_wait3A_382 : memref<128x128xf32, #tpu.memory_space<vmem>>)
    %add3A_386 = arith.constant 188416 : i32
    %add3A_387 = arith.addi %add3A_386, %mul3A_2 : i32
    %dma_start3A_388 = arith.constant 1 : i32
    %dma_start3A_389 = arith.constant 0 : i32
    %dma_start3A_390 = arith.constant 0 : i32
    %dma_start3A_391 = tpu.memref_slice %arg6[%dma_start3A_388, %dma_start3A_389, %dma_start3A_390] : memref<5x128x128xf32, #tpu.memory_space<vmem>> -> memref<1x128x128xf32, #tpu.memory_space<vmem>>
    %dma_start3A_392 = tpu.memref_squeeze %dma_start3A_391 : memref<1x128x128xf32, #tpu.memory_space<vmem>> -> memref<128x128xf32, #tpu.memory_space<vmem>>
    %dma_start3A_393 = arith.constant 0 : i32
    %dma_start3A_394 = tpu.memref_slice %arg4[%add3A_387, %dma_start3A_393] : memref<204800x128xf32, #tpu.memory_space<hbm>> -> memref<128x128xf32, #tpu.memory_space<hbm>>
    %dma_start3A_395 = arith.constant 0 : i32
    %dma_start3A_396 = tpu.memref_slice %arg4[%add3A_387, %dma_start3A_395] : memref<204800x128xf32, #tpu.memory_space<hbm>> -> memref<128x128xf32, #tpu.memory_space<hbm>>
    %dma_start3A_397 = arith.constant 0 : i32
    %dma_start3A_398 = arith.constant 0 : i32
    %dma_start3A_399 = tpu.memref_slice %arg6[%dma_start3A_388, %dma_start3A_397, %dma_start3A_398] : memref<5x128x128xf32, #tpu.memory_space<vmem>> -> memref<1x128x128xf32, #tpu.memory_space<vmem>>
    %dma_start3A_400 = tpu.memref_squeeze %dma_start3A_399 : memref<1x128x128xf32, #tpu.memory_space<vmem>> -> memref<128x128xf32, #tpu.memory_space<vmem>>
    tpu.enqueue_dma source(%dma_start3A_400 : memref<128x128xf32, #tpu.memory_space<vmem>>) target(%dma_start3A_396 : memref<128x128xf32, #tpu.memory_space<hbm>>) target_semaphore(%arg13 : memref<!tpu.dma_semaphore, #tpu.memory_space<semaphore_mem>>)
    %dma_wait3A_401 = arith.constant 2 : i32
    %dma_wait3A_402 = arith.constant 0 : i32
    %dma_wait3A_403 = arith.constant 0 : i32
    %dma_wait3A_404 = tpu.memref_slice %arg6[%dma_wait3A_401, %dma_wait3A_402, %dma_wait3A_403] : memref<5x128x128xf32, #tpu.memory_space<vmem>> -> memref<1x128x128xf32, #tpu.memory_space<vmem>>
    %dma_wait3A_405 = tpu.memref_squeeze %dma_wait3A_404 : memref<1x128x128xf32, #tpu.memory_space<vmem>> -> memref<128x128xf32, #tpu.memory_space<vmem>>
    %dma_wait3A_406 = arith.constant 0 : i32
    %dma_wait3A_407 = arith.constant 0 : i32
    %dma_wait3A_408 = tpu.memref_slice %arg3[%dma_wait3A_406, %dma_wait3A_407] : memref<100001x128xf32, #tpu.memory_space<hbm>> -> memref<128x128xf32, #tpu.memory_space<hbm>>
    %dma_wait3A_409 = arith.constant 0 : i32
    %dma_wait3A_410 = arith.constant 0 : i32
    %dma_wait3A_411 = tpu.memref_slice %arg6[%dma_wait3A_401, %dma_wait3A_409, %dma_wait3A_410] : memref<5x128x128xf32, #tpu.memory_space<vmem>> -> memref<1x128x128xf32, #tpu.memory_space<vmem>>
    %dma_wait3A_412 = tpu.memref_squeeze %dma_wait3A_411 : memref<1x128x128xf32, #tpu.memory_space<vmem>> -> memref<128x128xf32, #tpu.memory_space<vmem>>
    %dma_wait3A_413 = arith.constant 0 : i32
    %dma_wait3A_414 = arith.constant 0 : i32
    %dma_wait3A_415 = tpu.memref_slice %arg3[%dma_wait3A_413, %dma_wait3A_414] : memref<100001x128xf32, #tpu.memory_space<hbm>> -> memref<128x128xf32, #tpu.memory_space<hbm>>
    tpu.wait_dma2 semaphore(%arg9 : memref<!tpu.dma_semaphore, #tpu.memory_space<semaphore_mem>>) src(%dma_wait3A_415 : memref<128x128xf32, #tpu.memory_space<hbm>>) dst(%dma_wait3A_412 : memref<128x128xf32, #tpu.memory_space<vmem>>)
    %add3A_416 = arith.constant 192512 : i32
    %add3A_417 = arith.addi %add3A_416, %mul3A_2 : i32
    %dma_start3A_418 = arith.constant 2 : i32
    %dma_start3A_419 = arith.constant 0 : i32
    %dma_start3A_420 = arith.constant 0 : i32
    %dma_start3A_421 = tpu.memref_slice %arg6[%dma_start3A_418, %dma_start3A_419, %dma_start3A_420] : memref<5x128x128xf32, #tpu.memory_space<vmem>> -> memref<1x128x128xf32, #tpu.memory_space<vmem>>
    %dma_start3A_422 = tpu.memref_squeeze %dma_start3A_421 : memref<1x128x128xf32, #tpu.memory_space<vmem>> -> memref<128x128xf32, #tpu.memory_space<vmem>>
    %dma_start3A_423 = arith.constant 0 : i32
    %dma_start3A_424 = tpu.memref_slice %arg4[%add3A_417, %dma_start3A_423] : memref<204800x128xf32, #tpu.memory_space<hbm>> -> memref<128x128xf32, #tpu.memory_space<hbm>>
    %dma_start3A_425 = arith.constant 0 : i32
    %dma_start3A_426 = tpu.memref_slice %arg4[%add3A_417, %dma_start3A_425] : memref<204800x128xf32, #tpu.memory_space<hbm>> -> memref<128x128xf32, #tpu.memory_space<hbm>>
    %dma_start3A_427 = arith.constant 0 : i32
    %dma_start3A_428 = arith.constant 0 : i32
    %dma_start3A_429 = tpu.memref_slice %arg6[%dma_start3A_418, %dma_start3A_427, %dma_start3A_428] : memref<5x128x128xf32, #tpu.memory_space<vmem>> -> memref<1x128x128xf32, #tpu.memory_space<vmem>>
    %dma_start3A_430 = tpu.memref_squeeze %dma_start3A_429 : memref<1x128x128xf32, #tpu.memory_space<vmem>> -> memref<128x128xf32, #tpu.memory_space<vmem>>
    tpu.enqueue_dma source(%dma_start3A_430 : memref<128x128xf32, #tpu.memory_space<vmem>>) target(%dma_start3A_426 : memref<128x128xf32, #tpu.memory_space<hbm>>) target_semaphore(%arg14 : memref<!tpu.dma_semaphore, #tpu.memory_space<semaphore_mem>>)
    %dma_wait3A_431 = arith.constant 3 : i32
    %dma_wait3A_432 = arith.constant 0 : i32
    %dma_wait3A_433 = arith.constant 0 : i32
    %dma_wait3A_434 = tpu.memref_slice %arg6[%dma_wait3A_431, %dma_wait3A_432, %dma_wait3A_433] : memref<5x128x128xf32, #tpu.memory_space<vmem>> -> memref<1x128x128xf32, #tpu.memory_space<vmem>>
    %dma_wait3A_435 = tpu.memref_squeeze %dma_wait3A_434 : memref<1x128x128xf32, #tpu.memory_space<vmem>> -> memref<128x128xf32, #tpu.memory_space<vmem>>
    %dma_wait3A_436 = arith.constant 0 : i32
    %dma_wait3A_437 = arith.constant 0 : i32
    %dma_wait3A_438 = tpu.memref_slice %arg3[%dma_wait3A_436, %dma_wait3A_437] : memref<100001x128xf32, #tpu.memory_space<hbm>> -> memref<128x128xf32, #tpu.memory_space<hbm>>
    %dma_wait3A_439 = arith.constant 0 : i32
    %dma_wait3A_440 = arith.constant 0 : i32
    %dma_wait3A_441 = tpu.memref_slice %arg6[%dma_wait3A_431, %dma_wait3A_439, %dma_wait3A_440] : memref<5x128x128xf32, #tpu.memory_space<vmem>> -> memref<1x128x128xf32, #tpu.memory_space<vmem>>
    %dma_wait3A_442 = tpu.memref_squeeze %dma_wait3A_441 : memref<1x128x128xf32, #tpu.memory_space<vmem>> -> memref<128x128xf32, #tpu.memory_space<vmem>>
    %dma_wait3A_443 = arith.constant 0 : i32
    %dma_wait3A_444 = arith.constant 0 : i32
    %dma_wait3A_445 = tpu.memref_slice %arg3[%dma_wait3A_443, %dma_wait3A_444] : memref<100001x128xf32, #tpu.memory_space<hbm>> -> memref<128x128xf32, #tpu.memory_space<hbm>>
    tpu.wait_dma2 semaphore(%arg10 : memref<!tpu.dma_semaphore, #tpu.memory_space<semaphore_mem>>) src(%dma_wait3A_445 : memref<128x128xf32, #tpu.memory_space<hbm>>) dst(%dma_wait3A_442 : memref<128x128xf32, #tpu.memory_space<vmem>>)
    %add3A_446 = arith.constant 196608 : i32
    %add3A_447 = arith.addi %add3A_446, %mul3A_2 : i32
    %dma_start3A_448 = arith.constant 3 : i32
    %dma_start3A_449 = arith.constant 0 : i32
    %dma_start3A_450 = arith.constant 0 : i32
    %dma_start3A_451 = tpu.memref_slice %arg6[%dma_start3A_448, %dma_start3A_449, %dma_start3A_450] : memref<5x128x128xf32, #tpu.memory_space<vmem>> -> memref<1x128x128xf32, #tpu.memory_space<vmem>>
    %dma_start3A_452 = tpu.memref_squeeze %dma_start3A_451 : memref<1x128x128xf32, #tpu.memory_space<vmem>> -> memref<128x128xf32, #tpu.memory_space<vmem>>
    %dma_start3A_453 = arith.constant 0 : i32
    %dma_start3A_454 = tpu.memref_slice %arg4[%add3A_447, %dma_start3A_453] : memref<204800x128xf32, #tpu.memory_space<hbm>> -> memref<128x128xf32, #tpu.memory_space<hbm>>
    %dma_start3A_455 = arith.constant 0 : i32
    %dma_start3A_456 = tpu.memref_slice %arg4[%add3A_447, %dma_start3A_455] : memref<204800x128xf32, #tpu.memory_space<hbm>> -> memref<128x128xf32, #tpu.memory_space<hbm>>
    %dma_start3A_457 = arith.constant 0 : i32
    %dma_start3A_458 = arith.constant 0 : i32
    %dma_start3A_459 = tpu.memref_slice %arg6[%dma_start3A_448, %dma_start3A_457, %dma_start3A_458] : memref<5x128x128xf32, #tpu.memory_space<vmem>> -> memref<1x128x128xf32, #tpu.memory_space<vmem>>
    %dma_start3A_460 = tpu.memref_squeeze %dma_start3A_459 : memref<1x128x128xf32, #tpu.memory_space<vmem>> -> memref<128x128xf32, #tpu.memory_space<vmem>>
    tpu.enqueue_dma source(%dma_start3A_460 : memref<128x128xf32, #tpu.memory_space<vmem>>) target(%dma_start3A_456 : memref<128x128xf32, #tpu.memory_space<hbm>>) target_semaphore(%arg15 : memref<!tpu.dma_semaphore, #tpu.memory_space<semaphore_mem>>)
    %dma_wait3A_461 = arith.constant 4 : i32
    %dma_wait3A_462 = arith.constant 0 : i32
    %dma_wait3A_463 = arith.constant 0 : i32
    %dma_wait3A_464 = tpu.memref_slice %arg6[%dma_wait3A_461, %dma_wait3A_462, %dma_wait3A_463] : memref<5x128x128xf32, #tpu.memory_space<vmem>> -> memref<1x128x128xf32, #tpu.memory_space<vmem>>
    %dma_wait3A_465 = tpu.memref_squeeze %dma_wait3A_464 : memref<1x128x128xf32, #tpu.memory_space<vmem>> -> memref<128x128xf32, #tpu.memory_space<vmem>>
    %dma_wait3A_466 = arith.constant 0 : i32
    %dma_wait3A_467 = arith.constant 0 : i32
    %dma_wait3A_468 = tpu.memref_slice %arg3[%dma_wait3A_466, %dma_wait3A_467] : memref<100001x128xf32, #tpu.memory_space<hbm>> -> memref<128x128xf32, #tpu.memory_space<hbm>>
    %dma_wait3A_469 = arith.constant 0 : i32
    %dma_wait3A_470 = arith.constant 0 : i32
    %dma_wait3A_471 = tpu.memref_slice %arg6[%dma_wait3A_461, %dma_wait3A_469, %dma_wait3A_470] : memref<5x128x128xf32, #tpu.memory_space<vmem>> -> memref<1x128x128xf32, #tpu.memory_space<vmem>>
    %dma_wait3A_472 = tpu.memref_squeeze %dma_wait3A_471 : memref<1x128x128xf32, #tpu.memory_space<vmem>> -> memref<128x128xf32, #tpu.memory_space<vmem>>
    %dma_wait3A_473 = arith.constant 0 : i32
    %dma_wait3A_474 = arith.constant 0 : i32
    %dma_wait3A_475 = tpu.memref_slice %arg3[%dma_wait3A_473, %dma_wait3A_474] : memref<100001x128xf32, #tpu.memory_space<hbm>> -> memref<128x128xf32, #tpu.memory_space<hbm>>
    tpu.wait_dma2 semaphore(%arg11 : memref<!tpu.dma_semaphore, #tpu.memory_space<semaphore_mem>>) src(%dma_wait3A_475 : memref<128x128xf32, #tpu.memory_space<hbm>>) dst(%dma_wait3A_472 : memref<128x128xf32, #tpu.memory_space<vmem>>)
    %add3A_476 = arith.constant 200704 : i32
    %add3A_477 = arith.addi %add3A_476, %mul3A_2 : i32
    %dma_start3A_478 = arith.constant 4 : i32
    %dma_start3A_479 = arith.constant 0 : i32
    %dma_start3A_480 = arith.constant 0 : i32
    %dma_start3A_481 = tpu.memref_slice %arg6[%dma_start3A_478, %dma_start3A_479, %dma_start3A_480] : memref<5x128x128xf32, #tpu.memory_space<vmem>> -> memref<1x128x128xf32, #tpu.memory_space<vmem>>
    %dma_start3A_482 = tpu.memref_squeeze %dma_start3A_481 : memref<1x128x128xf32, #tpu.memory_space<vmem>> -> memref<128x128xf32, #tpu.memory_space<vmem>>
    %dma_start3A_483 = arith.constant 0 : i32
    %dma_start3A_484 = tpu.memref_slice %arg4[%add3A_477, %dma_start3A_483] : memref<204800x128xf32, #tpu.memory_space<hbm>> -> memref<128x128xf32, #tpu.memory_space<hbm>>
    %dma_start3A_485 = arith.constant 0 : i32
    %dma_start3A_486 = tpu.memref_slice %arg4[%add3A_477, %dma_start3A_485] : memref<204800x128xf32, #tpu.memory_space<hbm>> -> memref<128x128xf32, #tpu.memory_space<hbm>>
    %dma_start3A_487 = arith.constant 0 : i32
    %dma_start3A_488 = arith.constant 0 : i32
    %dma_start3A_489 = tpu.memref_slice %arg6[%dma_start3A_478, %dma_start3A_487, %dma_start3A_488] : memref<5x128x128xf32, #tpu.memory_space<vmem>> -> memref<1x128x128xf32, #tpu.memory_space<vmem>>
    %dma_start3A_490 = tpu.memref_squeeze %dma_start3A_489 : memref<1x128x128xf32, #tpu.memory_space<vmem>> -> memref<128x128xf32, #tpu.memory_space<vmem>>
    tpu.enqueue_dma source(%dma_start3A_490 : memref<128x128xf32, #tpu.memory_space<vmem>>) target(%dma_start3A_486 : memref<128x128xf32, #tpu.memory_space<hbm>>) target_semaphore(%arg16 : memref<!tpu.dma_semaphore, #tpu.memory_space<semaphore_mem>>)
    %dma_wait3A_491 = arith.constant 0 : i32
    %dma_wait3A_492 = arith.constant 0 : i32
    %dma_wait3A_493 = arith.constant 0 : i32
    %dma_wait3A_494 = tpu.memref_slice %arg6[%dma_wait3A_491, %dma_wait3A_492, %dma_wait3A_493] : memref<5x128x128xf32, #tpu.memory_space<vmem>> -> memref<1x128x128xf32, #tpu.memory_space<vmem>>
    %dma_wait3A_495 = tpu.memref_squeeze %dma_wait3A_494 : memref<1x128x128xf32, #tpu.memory_space<vmem>> -> memref<128x128xf32, #tpu.memory_space<vmem>>
    %dma_wait3A_496 = arith.constant 0 : i32
    %dma_wait3A_497 = tpu.memref_slice %arg4[%mul3A_2, %dma_wait3A_496] : memref<204800x128xf32, #tpu.memory_space<hbm>> -> memref<128x128xf32, #tpu.memory_space<hbm>>
    %dma_wait3A_498 = arith.constant 0 : i32
    %dma_wait3A_499 = tpu.memref_slice %arg4[%mul3A_2, %dma_wait3A_498] : memref<204800x128xf32, #tpu.memory_space<hbm>> -> memref<128x128xf32, #tpu.memory_space<hbm>>
    %dma_wait3A_500 = arith.constant 0 : i32
    %dma_wait3A_501 = arith.constant 0 : i32
    %dma_wait3A_502 = tpu.memref_slice %arg6[%dma_wait3A_491, %dma_wait3A_500, %dma_wait3A_501] : memref<5x128x128xf32, #tpu.memory_space<vmem>> -> memref<1x128x128xf32, #tpu.memory_space<vmem>>
    %dma_wait3A_503 = tpu.memref_squeeze %dma_wait3A_502 : memref<1x128x128xf32, #tpu.memory_space<vmem>> -> memref<128x128xf32, #tpu.memory_space<vmem>>
    tpu.wait_dma2 semaphore(%arg12 : memref<!tpu.dma_semaphore, #tpu.memory_space<semaphore_mem>>) src(%dma_wait3A_503 : memref<128x128xf32, #tpu.memory_space<vmem>>) dst(%dma_wait3A_499 : memref<128x128xf32, #tpu.memory_space<hbm>>)
    %dma_wait3A_504 = arith.constant 1 : i32
    %dma_wait3A_505 = arith.constant 0 : i32
    %dma_wait3A_506 = arith.constant 0 : i32
    %dma_wait3A_507 = tpu.memref_slice %arg6[%dma_wait3A_504, %dma_wait3A_505, %dma_wait3A_506] : memref<5x128x128xf32, #tpu.memory_space<vmem>> -> memref<1x128x128xf32, #tpu.memory_space<vmem>>
    %dma_wait3A_508 = tpu.memref_squeeze %dma_wait3A_507 : memref<1x128x128xf32, #tpu.memory_space<vmem>> -> memref<128x128xf32, #tpu.memory_space<vmem>>
    %dma_wait3A_509 = arith.constant 0 : i32
    %dma_wait3A_510 = tpu.memref_slice %arg4[%mul3A_2, %dma_wait3A_509] : memref<204800x128xf32, #tpu.memory_space<hbm>> -> memref<128x128xf32, #tpu.memory_space<hbm>>
    %dma_wait3A_511 = arith.constant 0 : i32
    %dma_wait3A_512 = tpu.memref_slice %arg4[%mul3A_2, %dma_wait3A_511] : memref<204800x128xf32, #tpu.memory_space<hbm>> -> memref<128x128xf32, #tpu.memory_space<hbm>>
    %dma_wait3A_513 = arith.constant 0 : i32
    %dma_wait3A_514 = arith.constant 0 : i32
    %dma_wait3A_515 = tpu.memref_slice %arg6[%dma_wait3A_504, %dma_wait3A_513, %dma_wait3A_514] : memref<5x128x128xf32, #tpu.memory_space<vmem>> -> memref<1x128x128xf32, #tpu.memory_space<vmem>>
    %dma_wait3A_516 = tpu.memref_squeeze %dma_wait3A_515 : memref<1x128x128xf32, #tpu.memory_space<vmem>> -> memref<128x128xf32, #tpu.memory_space<vmem>>
    tpu.wait_dma2 semaphore(%arg13 : memref<!tpu.dma_semaphore, #tpu.memory_space<semaphore_mem>>) src(%dma_wait3A_516 : memref<128x128xf32, #tpu.memory_space<vmem>>) dst(%dma_wait3A_512 : memref<128x128xf32, #tpu.memory_space<hbm>>)
    %dma_wait3A_517 = arith.constant 2 : i32
    %dma_wait3A_518 = arith.constant 0 : i32
    %dma_wait3A_519 = arith.constant 0 : i32
    %dma_wait3A_520 = tpu.memref_slice %arg6[%dma_wait3A_517, %dma_wait3A_518, %dma_wait3A_519] : memref<5x128x128xf32, #tpu.memory_space<vmem>> -> memref<1x128x128xf32, #tpu.memory_space<vmem>>
    %dma_wait3A_521 = tpu.memref_squeeze %dma_wait3A_520 : memref<1x128x128xf32, #tpu.memory_space<vmem>> -> memref<128x128xf32, #tpu.memory_space<vmem>>
    %dma_wait3A_522 = arith.constant 0 : i32
    %dma_wait3A_523 = tpu.memref_slice %arg4[%mul3A_2, %dma_wait3A_522] : memref<204800x128xf32, #tpu.memory_space<hbm>> -> memref<128x128xf32, #tpu.memory_space<hbm>>
    %dma_wait3A_524 = arith.constant 0 : i32
    %dma_wait3A_525 = tpu.memref_slice %arg4[%mul3A_2, %dma_wait3A_524] : memref<204800x128xf32, #tpu.memory_space<hbm>> -> memref<128x128xf32, #tpu.memory_space<hbm>>
    %dma_wait3A_526 = arith.constant 0 : i32
    %dma_wait3A_527 = arith.constant 0 : i32
    %dma_wait3A_528 = tpu.memref_slice %arg6[%dma_wait3A_517, %dma_wait3A_526, %dma_wait3A_527] : memref<5x128x128xf32, #tpu.memory_space<vmem>> -> memref<1x128x128xf32, #tpu.memory_space<vmem>>
    %dma_wait3A_529 = tpu.memref_squeeze %dma_wait3A_528 : memref<1x128x128xf32, #tpu.memory_space<vmem>> -> memref<128x128xf32, #tpu.memory_space<vmem>>
    tpu.wait_dma2 semaphore(%arg14 : memref<!tpu.dma_semaphore, #tpu.memory_space<semaphore_mem>>) src(%dma_wait3A_529 : memref<128x128xf32, #tpu.memory_space<vmem>>) dst(%dma_wait3A_525 : memref<128x128xf32, #tpu.memory_space<hbm>>)
    %dma_wait3A_530 = arith.constant 3 : i32
    %dma_wait3A_531 = arith.constant 0 : i32
    %dma_wait3A_532 = arith.constant 0 : i32
    %dma_wait3A_533 = tpu.memref_slice %arg6[%dma_wait3A_530, %dma_wait3A_531, %dma_wait3A_532] : memref<5x128x128xf32, #tpu.memory_space<vmem>> -> memref<1x128x128xf32, #tpu.memory_space<vmem>>
    %dma_wait3A_534 = tpu.memref_squeeze %dma_wait3A_533 : memref<1x128x128xf32, #tpu.memory_space<vmem>> -> memref<128x128xf32, #tpu.memory_space<vmem>>
    %dma_wait3A_535 = arith.constant 0 : i32
    %dma_wait3A_536 = tpu.memref_slice %arg4[%mul3A_2, %dma_wait3A_535] : memref<204800x128xf32, #tpu.memory_space<hbm>> -> memref<128x128xf32, #tpu.memory_space<hbm>>
    %dma_wait3A_537 = arith.constant 0 : i32
    %dma_wait3A_538 = tpu.memref_slice %arg4[%mul3A_2, %dma_wait3A_537] : memref<204800x128xf32, #tpu.memory_space<hbm>> -> memref<128x128xf32, #tpu.memory_space<hbm>>
    %dma_wait3A_539 = arith.constant 0 : i32
    %dma_wait3A_540 = arith.constant 0 : i32
    %dma_wait3A_541 = tpu.memref_slice %arg6[%dma_wait3A_530, %dma_wait3A_539, %dma_wait3A_540] : memref<5x128x128xf32, #tpu.memory_space<vmem>> -> memref<1x128x128xf32, #tpu.memory_space<vmem>>
    %dma_wait3A_542 = tpu.memref_squeeze %dma_wait3A_541 : memref<1x128x128xf32, #tpu.memory_space<vmem>> -> memref<128x128xf32, #tpu.memory_space<vmem>>
    tpu.wait_dma2 semaphore(%arg15 : memref<!tpu.dma_semaphore, #tpu.memory_space<semaphore_mem>>) src(%dma_wait3A_542 : memref<128x128xf32, #tpu.memory_space<vmem>>) dst(%dma_wait3A_538 : memref<128x128xf32, #tpu.memory_space<hbm>>)
    %dma_wait3A_543 = arith.constant 4 : i32
    %dma_wait3A_544 = arith.constant 0 : i32
    %dma_wait3A_545 = arith.constant 0 : i32
    %dma_wait3A_546 = tpu.memref_slice %arg6[%dma_wait3A_543, %dma_wait3A_544, %dma_wait3A_545] : memref<5x128x128xf32, #tpu.memory_space<vmem>> -> memref<1x128x128xf32, #tpu.memory_space<vmem>>
    %dma_wait3A_547 = tpu.memref_squeeze %dma_wait3A_546 : memref<1x128x128xf32, #tpu.memory_space<vmem>> -> memref<128x128xf32, #tpu.memory_space<vmem>>
    %dma_wait3A_548 = arith.constant 0 : i32
    %dma_wait3A_549 = tpu.memref_slice %arg4[%mul3A_2, %dma_wait3A_548] : memref<204800x128xf32, #tpu.memory_space<hbm>> -> memref<128x128xf32, #tpu.memory_space<hbm>>
    %dma_wait3A_550 = arith.constant 0 : i32
    %dma_wait3A_551 = tpu.memref_slice %arg4[%mul3A_2, %dma_wait3A_550] : memref<204800x128xf32, #tpu.memory_space<hbm>> -> memref<128x128xf32, #tpu.memory_space<hbm>>
    %dma_wait3A_552 = arith.constant 0 : i32
    %dma_wait3A_553 = arith.constant 0 : i32
    %dma_wait3A_554 = tpu.memref_slice %arg6[%dma_wait3A_543, %dma_wait3A_552, %dma_wait3A_553] : memref<5x128x128xf32, #tpu.memory_space<vmem>> -> memref<1x128x128xf32, #tpu.memory_space<vmem>>
    %dma_wait3A_555 = tpu.memref_squeeze %dma_wait3A_554 : memref<1x128x128xf32, #tpu.memory_space<vmem>> -> memref<128x128xf32, #tpu.memory_space<vmem>>
    tpu.wait_dma2 semaphore(%arg16 : memref<!tpu.dma_semaphore, #tpu.memory_space<semaphore_mem>>) src(%dma_wait3A_555 : memref<128x128xf32, #tpu.memory_space<vmem>>) dst(%dma_wait3A_551 : memref<128x128xf32, #tpu.memory_space<hbm>>)
    return
  }
}

</mosaic_0001>

<sc_bundles>
// kernel: kernel.3.cloned.1.call-start
scs
__scs_entry_jumppad:
0x0: {  	(pc) =	sbr.rel $0x88, $3  }
0x1: {  	(tag) =	ssettag $0x0;
	lr =	simm.s32 $0x1  }
0x2: {  	[smem:$0x3F9F] =	sst lr;
	_ =	strace $0xD0000000  }
0x3: {  	_ = 	snop  }
0x4: {  	_ = 	snop  }
0x5: {  	_ = 	snop  }
0x6: {  	_ = 	snop  }
0x7: {  	_ = 	snop  }
__scs_overlays_trampoline_lowered:
0x8: {  	[smem:$0x3FAE] =	sst s0  }
0x9: {  	[smem:$0x3FAF] =	sst s1  }
0xa: {  	[smem:$0x3FB0] =	sst s2  }
0xb: {  	[smem:$0x3FB1] =	sst s3  }
0xc: {  	[smem:$0x3FB2] =	sst s4  }
0xd: {  	[smem:$0x3FB3] =	sst s5  }
0xe: {  	[smem:$0x3FB4] =	sst s6  }
0xf: {  	[smem:$0x3FB5] =	sst s7  }
0x10: {  	[smem:$0x3FB6] =	sst s8  }
0x11: {  	[smem:$0x3FB7] =	sst s9;
	s0 =	simm.s32 @!p0 $0x0  }
0x12: {  	s1 =	sld [smem:$0x3F9D];
	s0 =	simm.s32 @p0 $0x1  }
0x13: {  	[smem:$0x3FB8] =	sst s0;
	s0 =	simm.s32 @!p1 $0x0  }
0x14: {  	s2 =	sld [smem:$0x3F9C];
	s0 =	simm.s32 @p1 $0x1  }
0x15: {  	[smem:$0x3FB9] =	sst s0;
	s0 =	simm.s32 @!p2 $0x0  }
0x16: {  	s3 =	sld [smem:$0x3FDB];
	s0 =	simm.s32 @p2 $0x1  }
0x17: {  	s4 =	simm.s32 $0x1BF5;
	[smem:$0x3FBB] =	sst s0  }
0x18: {  	s0 =	sld [smem:$0x3F9E];
	_ =	swait.ge [sflag:s4], $0x0  }
0x19: {  	s7 =	sld [smem:$0x3F9F]  }
0x1a: {  	s8 =	sadd.s32 $0xFFFFE003, lr  }
0x1b: {  	s9 =	sadd.s32 $0xFFFFFEF7, lr;
	s5 =	simm.s32 $0xFFFFFFFF;
	p2 =	slt.u32 s8, $0xFFFFF086  }
0x1c: {  	p1 =	slt.u32 s9, $0xF7A;
	s5 =	simm.s32 @!p2 $0x0  }
0x1d: {  	s5 =	simm.s32 @p1 $0x1;
	p0 =	seq.s32 s7, s2  }
0x1e: {  	s7 =	smul.u32 @!p0 $0xF7A, s2;
	p2 =	seq.s32 @!p0 s5, $0x0  }
0x1f: {  	s9 =	smul.u32 $0xF7A, s1;
	s8 =	simm.s32 @!p0 $0x1BF5;
	p2 =	por !p2, p0  }
0x20: {  	[sflag:s8] =	ssyncset.s32 @!p0 $0xFFFFF086;
	s6 =	sadd.s32 @!p0 s3, s7;
	s7 =	simm.s32 @!p0 $0x108  }
0x21: {  	s3 =	sadd.s32 s3, s9;
	s6 =	sadd.s32 @!p0 $0x88, s6;
	s7 =	simm.s32 @p2 $0x1082  }
0x22: {  	[simem:s7], [sflag:s8] =	dma.local @!p0 [hbm:s6], $0xF7A  }
0x23: {  	s9 =	sor.u32 $0xD0000000, s2;
	s6 =	simm.s32 $0x108;
	_ =	swait.ge @!p0 [sflag:s8], $0x0  }
0x24: {  	s3 =	sadd.s32 $0x88, s3;
	s6 =	simm.s32 @!p1 $0x1082;
	[sflag:s4] =	ssyncset.s32 $0xFFFFF086  }
0x25: {  	[simem:s6], [sflag:s4] =	dma.local [hbm:s3], $0xF7A  }
0x26: {  	[smem:$0x3F9F] =	sst s1;
	(tag) =	ssettag s2;
	_ =	strace s9  }
0x27: {  	s1 =	sld [smem:$0x3FAF]  }
0x28: {  	s2 =	sld [smem:$0x3FB0]  }
0x29: {  	s4 =	sld [smem:$0x3FB2]  }
0x2a: {  	p0 =	seq.s32 s5, $0x0;
	s5 =	sld [smem:$0x3FB3]  }
0x2b: {  	s6 =	sld [smem:$0x3FB4]  }
0x2c: {  	s7 =	sld [smem:$0x3FB5]  }
0x2d: {  	s3 =	simm.s32 $0x108;
	s8 =	sld [smem:$0x3FB6]  }
0x2e: {  	s3 =	simm.s32 @!p0 $0x1082;
	s9 =	sld [smem:$0x3FB7]  }
0x2f: {  	lr =	sadd.s32 s0, s3;
	s0 =	sld [smem:$0x3FAE]  }
0x30: {  	s3 =	sld [smem:$0x3FB1]  }
0x31: {  	[smem:$0x3FBA] =	sst s10  }
0x32: {  	s10 =	sld [smem:$0x3FB8];
	_ =	sdelay $0x3  }
0x33: {  	p0 =	seq.s32 s10, $0x1;
	s10 =	sld [smem:$0x3FBA];
	_ =	sdelay $0x3  }
0x34: {  	[smem:$0x3FBA] =	sst s10  }
0x35: {  	s10 =	sld [smem:$0x3FB9];
	_ =	sdelay $0x3  }
0x36: {  	p1 =	seq.s32 s10, $0x1;
	s10 =	sld [smem:$0x3FBA];
	_ =	sdelay $0x3  }
0x37: {  	[smem:$0x3FBA] =	sst s10  }
0x38: {  	s10 =	sld [smem:$0x3FBB]  }
0x39: {  	_ = 	snop;
	(pc) =	sbr.ind lr, $3  }
0x3a: {  	_ = 	snop  }
0x3b: {  	_ = 	snop  }
0x3c: {  	p2 =	seq.s32 s10, $0x1;
	s10 =	sld [smem:$0x3FBA]  }
0x3d: {  	_ =	shalt  }
0x3e: {  	_ =	shalt  }
0x3f: {  	_ =	shalt  }
0x40: {  	_ =	shalt  }
0x41: {  	_ =	shalt  }
0x42: {  	_ =	shalt  }
0x43: {  	_ =	shalt  }
0x44: {  	_ =	shalt  }
0x45: {  	_ =	shalt  }
0x46: {  	_ =	shalt  }
0x47: {  	_ =	shalt  }
0x48: {  	_ =	shalt  }
0x49: {  	_ =	shalt  }
0x4a: {  	_ =	shalt  }
0x4b: {  	_ =	shalt  }
0x4c: {  	_ =	shalt  }
0x4d: {  	_ =	shalt  }
0x4e: {  	_ =	shalt  }
0x4f: {  	_ =	shalt  }
0x50: {  	_ =	shalt  }
0x51: {  	_ =	shalt  }
0x52: {  	_ =	shalt  }
0x53: {  	_ =	shalt  }
0x54: {  	_ =	shalt  }
0x55: {  	_ =	shalt  }
0x56: {  	_ =	shalt  }
0x57: {  	_ =	shalt  }
0x58: {  	_ =	shalt  }
0x59: {  	_ =	shalt  }
0x5a: {  	_ =	shalt  }
0x5b: {  	_ =	shalt  }
0x5c: {  	_ =	shalt  }
0x5d: {  	_ =	shalt  }
0x5e: {  	_ =	shalt  }
0x5f: {  	_ =	shalt  }
0x60: {  	_ =	shalt  }
0x61: {  	_ =	shalt  }
0x62: {  	_ =	shalt  }
0x63: {  	_ =	shalt  }
0x64: {  	_ =	shalt  }
0x65: {  	_ =	shalt  }
0x66: {  	_ =	shalt  }
0x67: {  	_ =	shalt  }
0x68: {  	_ =	shalt  }
0x69: {  	_ =	shalt  }
0x6a: {  	_ =	shalt  }
0x6b: {  	_ =	shalt  }
0x6c: {  	_ =	shalt  }
0x6d: {  	_ =	shalt  }
0x6e: {  	_ =	shalt  }
0x6f: {  	_ =	shalt  }
0x70: {  	_ =	shalt  }
0x71: {  	_ =	shalt  }
0x72: {  	_ =	shalt  }
0x73: {  	_ =	shalt  }
0x74: {  	_ =	shalt  }
0x75: {  	_ =	shalt  }
0x76: {  	_ =	shalt  }
0x77: {  	_ =	shalt  }
0x78: {  	_ =	shalt  }
0x79: {  	_ =	shalt  }
0x7a: {  	_ =	shalt  }
0x7b: {  	_ =	shalt  }
0x7c: {  	_ =	shalt  }
0x7d: {  	_ =	shalt  }
0x7e: {  	_ =	shalt  }
0x7f: {  	_ =	shalt  }
0x80: {  	_ =	shalt  }
0x81: {  	_ =	shalt  }
0x82: {  	_ =	shalt  }
0x83: {  	_ =	shalt  }
0x84: {  	_ =	shalt  }
0x85: {  	_ =	shalt  }
0x86: {  	_ =	shalt  }
0x87: {  	_ =	shalt  }
.Lfunc_end0:
.L_simem_size_0:
called_computation_lowered:
.L_overlay_start_0:
0x88: {  	s2 =	sld [smem:$0x3FD9]  }
0x89: {  	s3 =	sld [smem:$0x3FFE];
	_ =	sdelay $0x1  }
0x8a: {  	s1 =	srdreg.scid  }
0x8b: {  	s0 =	sand.u32 $0x1, s1  }
0x8c: {  	s18 =	sshll.u32 s0, $0xA;
	s2 =	sadd.s32 s3, s2  }
0x8d: {  	s2 =	sadd.s32 s2, s18  }
0x8e: {  	[smem:$0x3FC6] =	sst s2  }
0x8f: {  	_ = 	snop  }
0x90: {  	s2 =	sld [smem:$0x3FC9]  }
0x91: {  	s19 =	sld [smem:$0x3FC8]  }
0x92: {  	s4 =	sld [smem:$0x3FD0];
	(tm) =	ssettm $0x1  }
0x93: {  	s5 =	sld [smem:$0x3FFB];
	_ =	sdelay $0x3  }
0x94: {  	_ =	strace s5  }
0x95: {  	s5 =	sld [smem:$0x3FFC];
	_ =	sdelay $0x3  }
0x96: {  	_ =	strace s5  }
0x97: {  	s5 =	sld [smem:$0x3FFD];
	_ =	sdelay $0x3  }
0x98: {  	_ =	strace s5  }
0x99: {  	_ =	strace $0x8FFFFFFF  }
0x9a: {  	s20 =	sld [smem:$0x3FDB];
	_ =	sdelay $0x1  }
0x9b: {  	s6 =	simm.s32 $_scs_section_size  }
0x9c: {  	s7 =	simm.s32 $_size__tile_overlayer_lowered;
	s8 =	simm.s32 $_tile_overlayer_lowered  }
0x9d: {  	s23 =	simm.s32 $0x1BFF;
	s22 =	sshll.u32 s8, $0x1;
	s5 =	sadd.s32 s6, s20  }
0x9e: {  	s9 =	simm.s32 $0x0;
	s21 =	sshll.u32 s7, $0x1;
	s7 =	sadd.s32 s22, s5  }
0x9f: {  	[timem:s9], [sflag:s23] =	dma.local [hbm:s7], s21  }
0xa0: {  	_ =	swait.ge [sflag:s23], s21  }
0xa1: {  	s6 =	ssub.s32 $0x0, s21;
	[sflag:s23] =	ssyncset.done $0x0  }
0xa2: {  	[sflag:s23] =	ssyncadd.s32 s6;
	_ =	sdelay $0x1  }
0xa3: {  	s24 =	simm.s32 $0x1B8B  }
0xa4: {  	_ =	swait.ge [sflag:s24], $0x1  }
0xa5: {  	[sflag:s24] =	ssyncset.done $0x0  }
0xa6: {  	s25 =	simm.s32 $0x1B8E;
	[sflag:s24] =	ssyncadd.s32 $0xFFFFFFFF  }
0xa7: {  	s26 =	simm.s32 $execute0_lowered;
	[smem:$0x3FD2] =	sst s25  }
0xa8: {  	s6 =	sshll.u32 s26, $0x1;
	_ =	strace $0x80000046;
	[dreg:$0x1] =	wrdreg $0xFFFFFFFF  }
0xa9: {  	s28 =	simm.s32 $_size_execute0_lowered;
	s5 =	sadd.s32 s5, s6;
	[dreg:$0x0] =	wrdreg $0x0  }
0xaa: {  	s6 =	sshll.u32 s28, $0x1;
	[dreg:$0x2] =	wrdreg s5  }
0xab: {  	[dreg:$0x3] =	wrdreg s6  }
0xac: {  	[dreg:$0x4] =	wrdreg $0xC0  }
0xad: {  	_ =	task [dreg:s9], $0x5FFFF  }
0xae: {  	[dreg:$0x1] =	wrdreg $0xFFFFFFFF  }
0xaf: {  	[dreg:$0x0] =	wrdreg $0x60  }
0xb0: {  	[dreg:$0x2] =	wrdreg s2  }
0xb1: {  	[dreg:$0x3] =	wrdreg s19  }
0xb2: {  	[dreg:$0x4] =	wrdreg s4  }
0xb3: {  	[dreg:$0x5] =	wrdreg $0x9  }
0xb4: {  	_ =	task.clear_ibuf [dreg:s9], $0x6FFFF;
	_ =	strace $0x90000046  }
0xb5: {  	s29 =	simm.s32 $0x9;
	_ =	strace $0x80000048  }
0xb6: {  	_ =	swait.ge [sflag:s29], $0x1  }
0xb7: {  	[sflag:s29] =	ssyncadd.s32 $0xFFFFFFFF  }
0xb8: {  	_ =	strace $0x90000048  }
0xb9: {  	_ =	sfence  }
0xba: {  	s30 =	sld [smem:$0x0];
	_ =	sdelay $0x2  }
0xbb: {  	s31 =	sshll.u32 s1, $0xD;
	s1 =	sshrl.u32 s1, $0x2  }
0xbc: {  	s3 =	sand.u32 $0x4000, s31;
	s1 =	sadd.s32 s1, s30  }
0xbd: {  	s0 =	sor.u32 s3, s0;
	s1 =	sshll.u32 s1, $0x11  }
0xbe: {  	s0 =	sor.u32 s1, s0  }
0xbf: {  	s0 =	sadd.s32 $0x8F2B, s0  }
0xc0: {  	[sflag:s0] =	ssyncadd.remote.s32 $0x1  }
0xc1: {  	_ =	sfence.sel $0xFFFF  }
0xc2: {  	[dreg:$0x0] =	wrdreg $0xFFFFFFFF;
	(pc) =	sbr.abs _section_cstart, $3  }
0xc3: {  	[dreg:$0x1] =	wrdreg $0xFFFFFFFF  }
0xc4: {  	_ =	task.clear_ibuf [dreg:s9], $0x2FFFF;
	_ =	strace $0x9FFFFFFF  }
0xc5: {  	(tm) =	ssettm $0x7FFFFFFF  }
tec
execute0_lowered:
.L_overlay_start_1:
0x0: {  	(tag) =	ssettag $0x1  }
0x1: {  	s0 =	rddreg [dreg:$0x0]  }
0x2: {  	s2 =	rddreg [dreg:$0x1]  }
0x3: {  	s1 =	rddreg [dreg:$0x2];
	s3 =	srdreg.scid  }
0x4: {  	s9 =	stileid.u32;
	s18 =	simm.s32 $0x400;
	s29 =	simm.s32 $0xDC00  }
0x5: {  	s30 =	simm.s32 $0x1;
	s28 =	simm.s32 $0x7;
	s31 =	simm.s32 $0x8  }
0x6: {  	s6 =	sand.u32 $0x1, s3;
	s3 =	simm.s32 $0x0;
	s4 =	sshll.u32 s9, $0x8  }
0x7: {  	s26 =	sshll.u32 s9, $0xC;
	s9 =	simm.s32 $0x0;
	s5 =	sshll.u32 s6, $0x7  }
0x8: {  	[smem:$0x7FF] =	sst s3;
	s7 =	ssub.s32 $0x2, s6;
	s6 =	sshll.u32 s6, $0xB  }
0x9: {  	s4 =	sor.u32 s5, s4;
	_ =	strace $0x80000047;
	s8 =	sshrl.u32 s7, $0x1  }
0xa: {  	s5 =	sshll.u32 s4, $0x4;
	s4 =	sadd.s32 s0, s4;
	s19 =	ssub.s32 s7, s8  }
0xb: {  	s0 =	simm.s32 $0x11C00;
	s7 =	simm.s32 $0x9;
	s8 =	simm.s32 $0xA  }
0xc: {  	s5 =	sadd.s32 s1, s5;
	[dreg:$0x4] =	wrdreg s4;
	s4 =	sadd.s32 $0x6000, s4  }
0xd: {  	s1 =	sadd.s32 s26, s1;
	s16 =	smax.u32 s19, $0x1;
	s26 =	simm.s32 $0x9C00  }
0xe: {  	s19 =	simm.s32 $0x6;
	[dreg:$0x5] =	wrdreg s4;
	s20 =	sadd.s32 $0x10000, s5  }
0xf: {  	s21 =	sadd.s32 $0x20000, s5;
	s22 =	sadd.s32 $0x30000, s5;
	[dreg:$0x6] =	wrdreg s20  }
0x10: {  	s23 =	sadd.s32 $0x40000, s5;
	s24 =	sadd.s32 $0x2D0000, s5;
	[dreg:$0x7] =	wrdreg s21  }
0x11: {  	s25 =	sadd.s32 $0x2E0000, s5;
	s13 =	sadd.s32 $0x2F0000, s5;
	[dreg:$0x8] =	wrdreg s22  }
0x12: {  	s14 =	sadd.s32 $0x300000, s5;
	s15 =	sadd.s32 $0x310000, s5;
	[dreg:$0x9] =	wrdreg s23  }
0x13: {  	s1 =	sadd.s32 s6, s1;
	s6 =	simm.s32 $0x5;
	[dreg:$0xa] =	wrdreg s24  }
0x14: {  	[dreg:$0xb] =	wrdreg s25;
	s17 =	sadd.s32 $0x50000, s1;
	s21 =	simm.s32 $0xB  }
0x15: {  	s22 =	simm.s32 $0x80;
	s23 =	simm.s32 $0x1C00;
	s24 =	simm.s32 $0x5C00  }
0x16: {  	s1 =	simm.s32 $0x2;
	s25 =	simm.s32 $0x3;
	s20 =	simm.s32 $0x4  }
.LBB2_1:
0x17: {  	s4 =	rddreg [dreg:$0x4];
	s10 =	simm.s32 $0x8000  }
0x18: {  	[tilespmem:s3], [sflag:$0xB] =	stream.strided.gather [hbm4b:s4+s18], $0x1800, s10, s18, $0x38;
	[tilespmem:$0x15C00] =	vst v63  }
0x19: {  	s11 =	rddreg [dreg:$0x5];
	s12 =	simm.s32 $0x1800  }
0x1a: {  	[tilespmem:s12], [sflag:$0xB] =	stream.linear.gather [hbm4b:s11+s3], $0x100, $0x38;
	[tilespmem:$0x15C00] =	vst v63  }
0x1b: {  	_ =	swait.ge [sflag:s21], $0x1900  }
0x1c: {  	[sflag:s21] =	ssyncset.done $0x0  }
0x1d: {  	[sflag:s21] =	ssyncadd.s32 $0xFFFFE700  }
0x1e: {  	[tilespmem:s23], [sflag:$0x1] =	stream.indirect.gather [hbm4b:s2+s22], $0x80, s3, s22, $0xb8;
	[tilespmem:$0x15C00] =	vst v63  }
0x1f: {  	_ = 	snop  }
0x20: {  	[tilespmem:s24], [sflag:$0x2] =	stream.indirect.gather [hbm4b:s2+s22], $0x80, s22, s22, $0xb8;
	[tilespmem:$0x15C00] =	vst v63  }
0x21: {  	s10 =	simm.s32 $0x100  }
0x22: {  	[tilespmem:s26], [sflag:$0x3] =	stream.indirect.gather [hbm4b:s2+s22], $0x80, s10, s22, $0xb8;
	[tilespmem:$0x15C00] =	vst v63  }
0x23: {  	s11 =	simm.s32 $0x180  }
0x24: {  	[tilespmem:s29], [sflag:$0x4] =	stream.indirect.gather [hbm4b:s2+s22], $0x80, s11, s22, $0xb8;
	[tilespmem:$0x15C00] =	vst v63  }
0x25: {  	_ =	swait.ge [sflag:s30], $0x4000  }
0x26: {  	[sflag:s30] =	ssyncset.done $0x0  }
0x27: {  	[sflag:s30] =	ssyncadd.s32 $0xFFFFC000  }
0x28: {  	[hbm4b:s5+s3] =	stream.linear.scatter [tilespmem:s23], [sflag:$0x6], $0x4000, $0x38;
	[tilespmem:$0x15C00] =	vst v63  }
0x29: {  	s12 =	simm.s32 $0x200  }
0x2a: {  	[tilespmem:s0], [sflag:$0x5] =	stream.indirect.gather [hbm4b:s2+s22], $0x80, s12, s22, $0xb8;
	[tilespmem:$0x15C00] =	vst v63  }
0x2b: {  	_ =	swait.ge [sflag:s1], $0x4000  }
0x2c: {  	[sflag:s1] =	ssyncset.done $0x0  }
0x2d: {  	s10 =	rddreg [dreg:$0x6];
	[sflag:s1] =	ssyncadd.s32 $0xFFFFC000  }
0x2e: {  	[hbm4b:s10+s3] =	stream.linear.scatter [tilespmem:s24], [sflag:$0x7], $0x4000, $0x38;
	[tilespmem:$0x15C00] =	vst v63  }
0x2f: {  	_ =	swait.ge [sflag:s19], $0x4000  }
0x30: {  	[sflag:s19] =	ssyncset.done $0x0  }
0x31: {  	s11 =	simm.s32 $0x280;
	[sflag:s19] =	ssyncadd.s32 $0xFFFFC000  }
0x32: {  	[tilespmem:s23], [sflag:$0x1] =	stream.indirect.gather [hbm4b:s2+s22], $0x80, s11, s22, $0xb8;
	[tilespmem:$0x15C00] =	vst v63  }
0x33: {  	_ =	swait.ge [sflag:s25], $0x4000  }
0x34: {  	[sflag:s25] =	ssyncset.done $0x0  }
0x35: {  	s12 =	rddreg [dreg:$0x7];
	[sflag:s25] =	ssyncadd.s32 $0xFFFFC000  }
0x36: {  	[hbm4b:s12+s3] =	stream.linear.scatter [tilespmem:s26], [sflag:$0x8], $0x4000, $0x38;
	[tilespmem:$0x15C00] =	vst v63  }
0x37: {  	_ =	swait.ge [sflag:s28], $0x4000  }
0x38: {  	[sflag:s28] =	ssyncset.done $0x0  }
0x39: {  	s10 =	simm.s32 $0x300;
	[sflag:s28] =	ssyncadd.s32 $0xFFFFC000  }
0x3a: {  	[tilespmem:s24], [sflag:$0x2] =	stream.indirect.gather [hbm4b:s2+s22], $0x80, s10, s22, $0xb8;
	[tilespmem:$0x15C00] =	vst v63  }
0x3b: {  	_ =	swait.ge [sflag:s20], $0x4000  }
0x3c: {  	[sflag:s20] =	ssyncset.done $0x0  }
0x3d: {  	s11 =	rddreg [dreg:$0x8];
	[sflag:s20] =	ssyncadd.s32 $0xFFFFC000  }
0x3e: {  	[hbm4b:s11+s3] =	stream.linear.scatter [tilespmem:s29], [sflag:$0x9], $0x4000, $0x38;
	[tilespmem:$0x15C00] =	vst v63  }
0x3f: {  	_ =	swait.ge [sflag:s31], $0x4000  }
0x40: {  	[sflag:s31] =	ssyncset.done $0x0  }
0x41: {  	s12 =	simm.s32 $0x380;
	[sflag:s31] =	ssyncadd.s32 $0xFFFFC000  }
0x42: {  	[tilespmem:s26], [sflag:$0x3] =	stream.indirect.gather [hbm4b:s2+s22], $0x80, s12, s22, $0xb8;
	[tilespmem:$0x15C00] =	vst v63  }
0x43: {  	_ =	swait.ge [sflag:s6], $0x4000  }
0x44: {  	[sflag:s6] =	ssyncset.done $0x0  }
0x45: {  	s10 =	rddreg [dreg:$0x9];
	[sflag:s6] =	ssyncadd.s32 $0xFFFFC000  }
0x46: {  	[hbm4b:s10+s3] =	stream.linear.scatter [tilespmem:s0], [sflag:$0xA], $0x4000, $0x38;
	[tilespmem:$0x15C00] =	vst v63  }
0x47: {  	_ =	swait.ge [sflag:s7], $0x4000  }
0x48: {  	[sflag:s7] =	ssyncset.done $0x0  }
0x49: {  	[sflag:s7] =	ssyncadd.s32 $0xFFFFC000  }
0x4a: {  	[tilespmem:s29], [sflag:$0x4] =	stream.indirect.gather [hbm4b:s2+s22], $0x80, s18, s22, $0xb8;
	[tilespmem:$0x15C00] =	vst v63  }
0x4b: {  	_ =	swait.ge [sflag:s30], $0x4000  }
0x4c: {  	[sflag:s30] =	ssyncset.done $0x0  }
0x4d: {  	[sflag:s30] =	ssyncadd.s32 $0xFFFFC000  }
0x4e: {  	[hbm4b:s17+s3] =	stream.linear.scatter [tilespmem:s23], [sflag:$0x6], $0x4000, $0x38;
	[tilespmem:$0x15C00] =	vst v63  }
0x4f: {  	_ =	swait.ge [sflag:s8], $0x4000  }
0x50: {  	[sflag:s8] =	ssyncset.done $0x0  }
0x51: {  	s11 =	simm.s32 $0x480;
	[sflag:s8] =	ssyncadd.s32 $0xFFFFC000  }
0x52: {  	[tilespmem:s0], [sflag:$0x5] =	stream.indirect.gather [hbm4b:s2+s22], $0x80, s11, s22, $0xb8;
	[tilespmem:$0x15C00] =	vst v63  }
0x53: {  	_ =	swait.ge [sflag:s1], $0x4000  }
0x54: {  	[sflag:s1] =	ssyncset.done $0x0  }
0x55: {  	s12 =	sadd.s32 $0x10000, s17;
	[sflag:s1] =	ssyncadd.s32 $0xFFFFC000  }
0x56: {  	[hbm4b:s12+s3] =	stream.linear.scatter [tilespmem:s24], [sflag:$0x7], $0x4000, $0x38;
	[tilespmem:$0x15C00] =	vst v63  }
0x57: {  	_ =	swait.ge [sflag:s19], $0x4000  }
0x58: {  	[sflag:s19] =	ssyncset.done $0x0  }
0x59: {  	s4 =	simm.s32 $0x500;
	[sflag:s19] =	ssyncadd.s32 $0xFFFFC000  }
0x5a: {  	[tilespmem:s23], [sflag:$0x1] =	stream.indirect.gather [hbm4b:s2+s22], $0x80, s4, s22, $0xb8;
	[tilespmem:$0x15C00] =	vst v63  }
0x5b: {  	_ =	swait.ge [sflag:s25], $0x4000  }
0x5c: {  	[sflag:s25] =	ssyncset.done $0x0  }
0x5d: {  	s11 =	sadd.s32 $0x20000, s17;
	[sflag:s25] =	ssyncadd.s32 $0xFFFFC000  }
0x5e: {  	[hbm4b:s11+s3] =	stream.linear.scatter [tilespmem:s26], [sflag:$0x8], $0x4000, $0x38;
	[tilespmem:$0x15C00] =	vst v63  }
0x5f: {  	_ =	swait.ge [sflag:s28], $0x4000  }
0x60: {  	[sflag:s28] =	ssyncset.done $0x0  }
0x61: {  	s12 =	simm.s32 $0x580;
	[sflag:s28] =	ssyncadd.s32 $0xFFFFC000  }
0x62: {  	[tilespmem:s24], [sflag:$0x2] =	stream.indirect.gather [hbm4b:s2+s22], $0x80, s12, s22, $0xb8;
	[tilespmem:$0x15C00] =	vst v63  }
0x63: {  	_ =	swait.ge [sflag:s20], $0x4000  }
0x64: {  	[sflag:s20] =	ssyncset.done $0x0  }
0x65: {  	s4 =	sadd.s32 $0x30000, s17;
	[sflag:s20] =	ssyncadd.s32 $0xFFFFC000  }
0x66: {  	[hbm4b:s4+s3] =	stream.linear.scatter [tilespmem:s29], [sflag:$0x9], $0x4000, $0x38;
	[tilespmem:$0x15C00] =	vst v63  }
0x67: {  	_ =	swait.ge [sflag:s31], $0x4000  }
0x68: {  	[sflag:s31] =	ssyncset.done $0x0  }
0x69: {  	s11 =	simm.s32 $0x600;
	[sflag:s31] =	ssyncadd.s32 $0xFFFFC000  }
0x6a: {  	[tilespmem:s26], [sflag:$0x3] =	stream.indirect.gather [hbm4b:s2+s22], $0x80, s11, s22, $0xb8;
	[tilespmem:$0x15C00] =	vst v63  }
0x6b: {  	_ =	swait.ge [sflag:s6], $0x4000  }
0x6c: {  	[sflag:s6] =	ssyncset.done $0x0  }
0x6d: {  	s12 =	sadd.s32 $0x40000, s17;
	[sflag:s6] =	ssyncadd.s32 $0xFFFFC000  }
0x6e: {  	[hbm4b:s12+s3] =	stream.linear.scatter [tilespmem:s0], [sflag:$0xA], $0x4000, $0x38;
	[tilespmem:$0x15C00] =	vst v63  }
0x6f: {  	_ =	swait.ge [sflag:s7], $0x4000  }
0x70: {  	s10 =	simm.s32 $0xA00;
	[sflag:s7] =	ssyncset.done $0x0  }
0x71: {  	s11 =	sadd.s32 $0x50000, s17;
	s12 =	simm.s32 $0x680;
	[sflag:s7] =	ssyncadd.s32 $0xFFFFC000  }
.LBB2_2:
0x72: {  	[tilespmem:s29], [sflag:$0x4] =	stream.indirect.gather [hbm4b:s2+s22], $0x80, s12, s22, $0xb8;
	[tilespmem:$0x15C00] =	vst v63  }
0x73: {  	s12 =	smov.u32 s10  }
0x74: {  	p0 =	sne.s32 s10, $0x4600;
	s10 =	sadd.s32 $0xA00, s10;
	_ =	swait.ge [sflag:s30], $0x4000  }
0x75: {  	[sflag:s30] =	ssyncset.done $0x0  }
0x76: {  	[sflag:s30] =	ssyncadd.s32 $0xFFFFC000  }
0x77: {  	[hbm4b:s11+s3] =	stream.linear.scatter [tilespmem:s23], [sflag:$0x6], $0x4000, $0x38;
	[tilespmem:$0x15C00] =	vst v63  }
0x78: {  	_ =	swait.ge [sflag:s8], $0x4000  }
0x79: {  	s12 =	sshra.s32 s12, $0x2;
	[sflag:s8] =	ssyncset.done $0x0  }
0x7a: {  	s4 =	sadd.s32 $0x480, s12;
	[sflag:s8] =	ssyncadd.s32 $0xFFFFC000  }
0x7b: {  	[tilespmem:s0], [sflag:$0x5] =	stream.indirect.gather [hbm4b:s2+s22], $0x80, s4, s22, $0xb8;
	[tilespmem:$0x15C00] =	vst v63  }
0x7c: {  	_ =	swait.ge [sflag:s1], $0x4000  }
0x7d: {  	[sflag:s1] =	ssyncset.done $0x0  }
0x7e: {  	s4 =	sadd.s32 $0x10000, s11;
	[sflag:s1] =	ssyncadd.s32 $0xFFFFC000  }
0x7f: {  	[hbm4b:s4+s3] =	stream.linear.scatter [tilespmem:s24], [sflag:$0x7], $0x4000, $0x38;
	[tilespmem:$0x15C00] =	vst v63  }
0x80: {  	_ =	swait.ge [sflag:s19], $0x4000  }
0x81: {  	[sflag:s19] =	ssyncset.done $0x0  }
0x82: {  	s4 =	sadd.s32 $0x500, s12;
	[sflag:s19] =	ssyncadd.s32 $0xFFFFC000  }
0x83: {  	[tilespmem:s23], [sflag:$0x1] =	stream.indirect.gather [hbm4b:s2+s22], $0x80, s4, s22, $0xb8;
	[tilespmem:$0x15C00] =	vst v63  }
0x84: {  	_ =	swait.ge [sflag:s25], $0x4000  }
0x85: {  	[sflag:s25] =	ssyncset.done $0x0  }
0x86: {  	s4 =	sadd.s32 $0x20000, s11;
	[sflag:s25] =	ssyncadd.s32 $0xFFFFC000  }
0x87: {  	[hbm4b:s4+s3] =	stream.linear.scatter [tilespmem:s26], [sflag:$0x8], $0x4000, $0x38;
	[tilespmem:$0x15C00] =	vst v63  }
0x88: {  	_ =	swait.ge [sflag:s28], $0x4000  }
0x89: {  	[sflag:s28] =	ssyncset.done $0x0  }
0x8a: {  	s4 =	sadd.s32 $0x580, s12;
	[sflag:s28] =	ssyncadd.s32 $0xFFFFC000  }
0x8b: {  	[tilespmem:s24], [sflag:$0x2] =	stream.indirect.gather [hbm4b:s2+s22], $0x80, s4, s22, $0xb8;
	[tilespmem:$0x15C00] =	vst v63  }
0x8c: {  	_ =	swait.ge [sflag:s20], $0x4000  }
0x8d: {  	[sflag:s20] =	ssyncset.done $0x0  }
0x8e: {  	s4 =	sadd.s32 $0x30000, s11;
	[sflag:s20] =	ssyncadd.s32 $0xFFFFC000  }
0x8f: {  	[hbm4b:s4+s3] =	stream.linear.scatter [tilespmem:s29], [sflag:$0x9], $0x4000, $0x38;
	[tilespmem:$0x15C00] =	vst v63  }
0x90: {  	_ =	swait.ge [sflag:s31], $0x4000  }
0x91: {  	[sflag:s31] =	ssyncset.done $0x0  }
0x92: {  	s4 =	sadd.s32 $0x600, s12;
	[sflag:s31] =	ssyncadd.s32 $0xFFFFC000  }
0x93: {  	[tilespmem:s26], [sflag:$0x3] =	stream.indirect.gather [hbm4b:s2+s22], $0x80, s4, s22, $0xb8;
	[tilespmem:$0x15C00] =	vst v63  }
0x94: {  	_ =	swait.ge [sflag:s6], $0x4000  }
0x95: {  	[sflag:s6] =	ssyncset.done $0x0  }
.Ltmp0:
0x96: {  	s4 =	sadd.s32 $0x40000, s11;
	[sflag:s6] =	ssyncadd.s32 $0xFFFFC000;
	(pc) =	sbr.rel @p0 .LBB2_2-.Ltmp0, $4  }
0x97: {  	[hbm4b:s4+s3] =	stream.linear.scatter [tilespmem:s0], [sflag:$0xA], $0x4000, $0x38;
	[tilespmem:$0x15C00] =	vst v63  }
0x98: {  	_ =	swait.ge [sflag:s7], $0x4000  }
0x99: {  	[sflag:s7] =	ssyncset.done $0x0  }
0x9a: {  	s12 =	sadd.s32 $0x680, s12;
	s11 =	sadd.s32 $0x50000, s11;
	[sflag:s7] =	ssyncadd.s32 $0xFFFFC000  }
0x9b: {  	[tilespmem:s29], [sflag:$0x4] =	stream.indirect.gather [hbm4b:s2+s22], $0x80, s12, s22, $0xb8;
	[tilespmem:$0x15C00] =	vst v63  }
0x9c: {  	_ =	swait.ge [sflag:s30], $0x4000  }
0x9d: {  	[sflag:s30] =	ssyncset.done $0x0  }
0x9e: {  	s4 =	rddreg [dreg:$0xa];
	[sflag:s30] =	ssyncadd.s32 $0xFFFFC000  }
0x9f: {  	[hbm4b:s4+s3] =	stream.linear.scatter [tilespmem:s23], [sflag:$0x6], $0x4000, $0x38;
	[tilespmem:$0x15C00] =	vst v63  }
0xa0: {  	_ =	swait.ge [sflag:s8], $0x4000  }
0xa1: {  	[sflag:s8] =	ssyncset.done $0x0  }
0xa2: {  	s11 =	simm.s32 $0x1880;
	[sflag:s8] =	ssyncadd.s32 $0xFFFFC000  }
0xa3: {  	[tilespmem:s0], [sflag:$0x5] =	stream.indirect.gather [hbm4b:s2+s22], $0x80, s11, s22, $0xb8;
	[tilespmem:$0x15C00] =	vst v63  }
0xa4: {  	_ =	swait.ge [sflag:s1], $0x4000  }
0xa5: {  	[sflag:s1] =	ssyncset.done $0x0  }
0xa6: {  	s12 =	rddreg [dreg:$0xb];
	[sflag:s1] =	ssyncadd.s32 $0xFFFFC000  }
0xa7: {  	[hbm4b:s12+s3] =	stream.linear.scatter [tilespmem:s24], [sflag:$0x7], $0x4000, $0x38;
	[tilespmem:$0x15C00] =	vst v63  }
0xa8: {  	_ =	swait.ge [sflag:s25], $0x4000  }
0xa9: {  	[sflag:s25] =	ssyncset.done $0x0  }
0xaa: {  	[sflag:s25] =	ssyncadd.s32 $0xFFFFC000  }
0xab: {  	[hbm4b:s13+s3] =	stream.linear.scatter [tilespmem:s26], [sflag:$0x8], $0x4000, $0x38;
	[tilespmem:$0x15C00] =	vst v63  }
0xac: {  	_ =	swait.ge [sflag:s20], $0x4000  }
0xad: {  	[sflag:s20] =	ssyncset.done $0x0  }
0xae: {  	[sflag:s20] =	ssyncadd.s32 $0xFFFFC000  }
0xaf: {  	[hbm4b:s14+s3] =	stream.linear.scatter [tilespmem:s29], [sflag:$0x9], $0x4000, $0x38;
	[tilespmem:$0x15C00] =	vst v63  }
0xb0: {  	_ =	swait.ge [sflag:s6], $0x4000  }
0xb1: {  	[sflag:s6] =	ssyncset.done $0x0  }
0xb2: {  	[sflag:s6] =	ssyncadd.s32 $0xFFFFC000  }
0xb3: {  	[hbm4b:s15+s3] =	stream.linear.scatter [tilespmem:s0], [sflag:$0xA], $0x4000, $0x38;
	[tilespmem:$0x15C00] =	vst v63  }
0xb4: {  	_ =	swait.ge [sflag:s19], $0x4000  }
0xb5: {  	[sflag:s19] =	ssyncset.done $0x0  }
0xb6: {  	[sflag:s19] =	ssyncadd.s32 $0xFFFFC000  }
0xb7: {  	_ =	swait.ge [sflag:s28], $0x4000  }
0xb8: {  	[sflag:s28] =	ssyncset.done $0x0  }
0xb9: {  	[sflag:s28] =	ssyncadd.s32 $0xFFFFC000  }
0xba: {  	_ =	swait.ge [sflag:s31], $0x4000  }
0xbb: {  	[sflag:s31] =	ssyncset.done $0x0  }
0xbc: {  	s9 =	sadd.s32 $0x1, s9;
	[sflag:s31] =	ssyncadd.s32 $0xFFFFC000  }
0xbd: {  	p0 =	sne.s32 s9, s16;
	_ =	swait.ge [sflag:s7], $0x4000  }
.Ltmp1:
0xbe: {  	[sflag:s7] =	ssyncset.done $0x0;
	(pc) =	sbr.rel @p0 .LBB2_1-.Ltmp1, $4  }
0xbf: {  	[sflag:s7] =	ssyncadd.s32 $0xFFFFC000  }
0xc0: {  	_ =	swait.ge [sflag:s8], $0x4000  }
0xc1: {  	[sflag:s8] =	ssyncset.done $0x0  }
0xc2: {  	[sflag:s8] =	ssyncadd.s32 $0xFFFFC000  }
0xc3: {  	_ =	sfence.sel $0x180000  }
0xc4: {  	[bflag:$0x0] =	sbarrier.arrive $0xFFFF  }
0xc5: {  	_ =	strace $0x90000047  }
0xc6: {  	s0 =	stileid.u32;
	[bflag:$0x2] =	sbarrier.arrive $0xFFFF  }
0xc7: {  	p0 =	sne.s32 s0, $0x0;
	s0 =	rddreg [dreg:$0x3]  }
0xc8: {  	s0 =	sadd.s32 @!p0 $0x100000, s0  }
0xc9: {  	[sflag:s0] =	ssyncadd.tile.s32 @!p0 $0x1;
	_ =	shalt  }
.Lfunc_end2:
_tile_overlayer_lowered:
.L_overlay_start_2:
0xca: {  	(tag) =	ssettag $0x2  }
0xcb: {  	s0 =	rddreg [dreg:$0x0];
	s2 =	stileid.u32  }
0xcc: {  	s1 =	rddreg [dreg:$0x1];
	p0 =	sne.s32 s2, $0x0  }
0xcd: {  	s3 =	rddreg [dreg:$0x2];
	[bflag:$0x3] =	sbarrier.arrive $0xFFFF;
	s2 =	simm.s32 @!p0 $0x1C0B  }
0xce: {  	[timem:s3], [sflag:s2] =	dma.local @!p0 [hbm:s0], s1  }
0xcf: {  	s0 =	simm.s32 @!p0 $0xB  }
0xd0: {  	_ =	swait.ge @!p0 [sflag:s0], s1  }
0xd1: {  	s1 =	ssub.s32 @!p0 $0x0, s1;
	[sflag:s0] =	ssyncset.done @!p0 $0x0  }
0xd2: {  	[sflag:s0] =	ssyncadd.s32 @!p0 s1  }
0xd3: {  	[bflag:$0x3] =	sbarrier.arrive $0xFFFF  }
0xd4: {  	_ =	shalt  }

</sc_bundles>
